<compile_context>
chip_gen: v7x
topology: tpu7x:2x2x1
jax: 0.10.2.dev20260603
libtpu: 0.0.44.dev20260713+nightly
codegen_flags: <defaults>
</compile_context>

<pallas_src>
import functools

import jax
import jax.numpy as jnp
from jax import lax
from jax.experimental import pallas as pl
from jax.experimental.pallas import tpu as pltpu
from jax.experimental.pallas import tpu_sc as plsc

B = 32
L = 4096
NHB = 128
NW = 127
FEAT_PAD = 384

GTAB_PAD = 72
LEV_OFF = 72
LUTG_OFF = 136
LUTG_PAD = 4104
AUX_N = LUTG_OFF + LUTG_PAD


def _sc_feats_body(x_hbm, aux_hbm, feats_hbm,
                   xrow, counts, gtab_v, lev_v, lutg_v, ent_s, feats_v):
    nc = 2
    row = lax.axis_index("s") * nc + lax.axis_index("c")
    pltpu.sync_copy(x_hbm.at[pl.ds(row * L, L)], xrow)
    pltpu.sync_copy(aux_hbm.at[pl.ds(0, GTAB_PAD)], gtab_v)
    pltpu.sync_copy(aux_hbm.at[pl.ds(LEV_OFF, 64)], lev_v)
    pltpu.sync_copy(aux_hbm.at[pl.ds(LUTG_OFF, LUTG_PAD)], lutg_v)

    lanes = lax.iota(jnp.int32, 16)
    zeros16i = jnp.zeros((16,), jnp.int32)
    ones16i = jnp.ones((16,), jnp.int32)
    lane32 = lanes * 32
    lane256 = lanes * 256

    def zbody(i, c):
        counts[pl.ds(i * 16, 16)] = zeros16i
        return c
    lax.fori_loop(0, (NHB * 256) // 16, zbody, 0)

    def hbody(j, c):
        g = j >> 5
        p = j & 31
        vals = plsc.load_gather(xrow, [g * 512 + p + lane32])
        vals = jnp.minimum(jnp.maximum(vals, 0), 255)
        plsc.addupdate_scatter(counts, [g * 4096 + lane256 + vals], ones16i)
        return c
    lax.fori_loop(0, 256, hbody, 0)

    def wbody(w, c):
        def ebody(k, acc):
            xv = xrow[pl.ds(w * 32 + k * 16, 16)]
            xv = jnp.minimum(jnp.maximum(xv, 0), 255)
            cnt = (plsc.load_gather(counts, [w * 256 + xv])
                   + plsc.load_gather(counts, [w * 256 + 256 + xv]))
            return acc + plsc.load_gather(gtab_v, [cnt])
        acc = lax.fori_loop(0, 4, ebody, jnp.zeros((16,), jnp.float32))
        ent_s[w] = jnp.sum(acc)
        return c
    lax.fori_loop(0, NW, wbody, 0)

    gacc = jnp.zeros((16,), jnp.float32)
    for k in range(16):
        def gbody(h, a):
            return a + counts[pl.ds(h * 256 + k * 16, 16)]
        hk = lax.fori_loop(0, NHB, gbody, zeros16i)
        feats_v[pl.ds(k * 16, 16)] = hk.astype(jnp.float32) * (1.0 / 4096.0)
        gacc = gacc + plsc.load_gather(lutg_v, [hk])
    g_ent = jnp.sum(gacc)

    for lc in range(4):
        lev = lev_v[pl.ds(lc * 16, 16)]
        def cbody(w, a):
            e = ent_s[w]
            return a + (lev >= e).astype(jnp.float32)
        acc = lax.fori_loop(0, NW, cbody, jnp.zeros((16,), jnp.float32))
        feats_v[pl.ds(256 + lc * 16, 16)] = acc / jnp.float32(NW)

    feats_v[pl.ds(320, 16)] = jnp.where(lanes == 0, g_ent, 0.0)
    zf = jnp.zeros((16,), jnp.float32)
    for k in range(3):
        feats_v[pl.ds(336 + k * 16, 16)] = zf
    pltpu.sync_copy(feats_v, feats_hbm.at[pl.ds(row * FEAT_PAD, FEAT_PAD)])


def _make_sc_feats():
    mesh = plsc.VectorSubcoreMesh(core_axis_name="c", subcore_axis_name="s")
    return pl.kernel(
        _sc_feats_body,
        mesh=mesh,
        compiler_params=pltpu.CompilerParams(needs_layout_passes=False),
        out_type=jax.ShapeDtypeStruct((B * FEAT_PAD,), jnp.float32),
        scratch_types=[
            pltpu.VMEM((L,), jnp.int32),
            pltpu.VMEM((NHB * 256,), jnp.int32),
            pltpu.VMEM((GTAB_PAD,), jnp.float32),
            pltpu.VMEM((64,), jnp.float32),
            pltpu.VMEM((LUTG_PAD,), jnp.float32),
            pltpu.SMEM((NW,), jnp.float32),
            pltpu.VMEM((FEAT_PAD,), jnp.float32),
        ],
    )


def _dot(a, b):
    return lax.dot_general(a, b, (((1,), (0,)), ((), ())),
                           precision=lax.Precision.HIGHEST,
                           preferred_element_type=jnp.float32)


def _ln_relu(h, g, b):
    mu = jnp.mean(h, axis=-1, keepdims=True)
    d = h - mu
    var = jnp.mean(d * d, axis=-1, keepdims=True)
    return jnp.maximum(d / jnp.sqrt(var + 1e-5) * g + b, 0.0)


def _mlp_body(f_ref, w1_ref, b1_ref, g1_ref, be1_ref, w2_ref, b2_ref, g2_ref,
              be2_ref, w3_ref, b3_ref, o_ref):
    h = _dot(f_ref[:], w1_ref[:]) + b1_ref[:]
    h = _ln_relu(h, g1_ref[:], be1_ref[:])
    h = _dot(h, w2_ref[:]) + b2_ref[:]
    h = _ln_relu(h, g2_ref[:], be2_ref[:])
    o_ref[:] = _dot(h, w3_ref[:]) + b3_ref[:]


def kernel(x, W1, b1, g1, be1, W2, b2, g2, be2, W3, b3):
    eps = 1e-10
    cw = jnp.arange(65, dtype=jnp.float32)
    wp = cw * (1.0 / 64.0)
    lutw = -(wp * jnp.log2(wp + eps))
    gtab = jnp.where(cw > 0, lutw / jnp.maximum(cw, 1.0), 0.0)
    gtab = jnp.pad(gtab, (0, GTAB_PAD - 65))
    levels = jnp.linspace(0.0, 8.0, 64).astype(jnp.float32)
    cg = jnp.arange(4097, dtype=jnp.float32)
    pg = cg * (1.0 / 4096.0)
    lutg = -(pg * jnp.log2(pg + eps))
    lutg = jnp.pad(lutg, (0, LUTG_PAD - 4097))
    aux = jnp.concatenate([gtab, levels, lutg])

    feats = _make_sc_feats()(x.reshape(-1).astype(jnp.int32), aux)
    feats = feats.reshape(B, FEAT_PAD)

    W1p = jnp.concatenate(
        [W1[0:256], W1[257:321], W1[256:257],
         jnp.zeros((FEAT_PAD - 321, W1.shape[1]), jnp.float32)], axis=0)

    out = pl.pallas_call(
        _mlp_body,
        out_shape=jax.ShapeDtypeStruct((B, W3.shape[1]), jnp.float32),
    )(feats, W1p, b1.reshape(1, -1), g1.reshape(1, -1), be1.reshape(1, -1),
      W2, b2.reshape(1, -1), g2.reshape(1, -1), be2.reshape(1, -1),
      W3, b3.reshape(1, -1))
    return out

# --- scband reference (transcript-rebuilt; emitter-appended) ---
"""Pipeline reference for scband-distribution-encoder-29781303230995 (READ-ONLY COPY).

The authoritative reference and input builder live on the scoring server;
editing this copy changes nothing except your own understanding.
"""

import jax, jax.numpy as jnp
import numpy as np

D_MODEL = 256
WIN = 64
CDF = 64
STRIDE = WIN // 2
EPS = 1e-10
STATS = 256 + 1 + CDF


def _layernorm(h, g, b):
    mu = jnp.mean(h, axis=-1, keepdims=True)
    var = jnp.mean((h - mu) ** 2, axis=-1, keepdims=True)
    return (h - mu) / jnp.sqrt(var + 1e-5) * g + b


def setup_inputs(seed: int = 0) -> dict:
    key = jax.random.key(seed)
    ks = jax.random.split(key, 12)
    x = jax.random.randint(ks[0], (32, 4096), 0, 256, dtype=jnp.int32)
    s = 0.02
    inp = {
        'x': x,
        'W1': jax.random.normal(ks[1], (STATS, 2 * D_MODEL), dtype=jnp.float32) * s,
        'b1': jnp.zeros((2 * D_MODEL,), dtype=jnp.float32),
        'g1': jnp.ones((2 * D_MODEL,), dtype=jnp.float32),
        'be1': jnp.zeros((2 * D_MODEL,), dtype=jnp.float32),
        'W2': jax.random.normal(ks[2], (2 * D_MODEL, 2 * D_MODEL), dtype=jnp.float32) * s,
        'b2': jnp.zeros((2 * D_MODEL,), dtype=jnp.float32),
        'g2': jnp.ones((2 * D_MODEL,), dtype=jnp.float32),
        'be2': jnp.zeros((2 * D_MODEL,), dtype=jnp.float32),
        'W3': jax.random.normal(ks[3], (2 * D_MODEL, D_MODEL), dtype=jnp.float32) * s,
        'b3': jnp.zeros((D_MODEL,), dtype=jnp.float32),
    }
    return inp


def reference(x, W1, b1, g1, be1, W2, b2, g2, be2, W3, b3):
    B, L = x.shape
    xl = jnp.clip(x, 0, 255)
    # global byte histogram via one-hot (scatter-add equivalent)
    one_hot = jax.nn.one_hot(xl, 256, dtype=jnp.float32)
    byte_hist = jnp.sum(one_hot, axis=1)  # [B, 256]
    valid_lengths = jnp.full((B,), float(L), dtype=jnp.float32)
    normalized_hist = byte_hist / (valid_lengths[:, None] + EPS)
    # global entropy
    total = jnp.sum(byte_hist, axis=-1, keepdims=True)
    probs = byte_hist / (total + EPS)
    global_entropy = -jnp.sum(probs * jnp.log2(probs + EPS), axis=-1)[:, None]
    # windowed entropy (L >= WIN path)
    nw = (L - WIN) // STRIDE + 1
    starts = jnp.arange(nw) * STRIDE
    idx = starts[:, None] + jnp.arange(WIN)[None, :]
    wins = xl[:, idx]  # [B, nw, WIN] gather
    woh = jax.nn.one_hot(wins, 256, dtype=jnp.float32)
    histograms = jnp.sum(woh, axis=2)  # [B, nw, 256]
    wt = jnp.sum(histograms, axis=-1, keepdims=True) + EPS
    wp = histograms / wt
    window_entropies = -jnp.sum(wp * jnp.log2(wp + EPS), axis=-1)  # [B, nw]
    # entropy CDF
    levels = jnp.linspace(0.0, 8.0, CDF).reshape(1, 1, -1)
    below = (window_entropies[:, :, None] <= levels).astype(jnp.float32)
    entropy_cdf = jnp.mean(below, axis=1)  # [B, CDF]
    feats = jnp.concatenate([normalized_hist, global_entropy, entropy_cdf], axis=1)
    # projector MLP (dropout is identity in eval)
    h = feats @ W1 + b1
    h = jax.nn.relu(_layernorm(h, g1, be1))
    h = h @ W2 + b2
    h = jax.nn.relu(_layernorm(h, g2, be2))
    return h @ W3 + b3

if __name__ == "__main__":
    import jax
    _d = setup_inputs()
    print(jax.jit(kernel)(*tuple(_d.values())))

</pallas_src>

<mosaic_0001>
#map = affine_map<(d0, d1) -> (0)>
module attributes {stable_mosaic.version = 14 : i64} {
  func.func @_sc_feats_body(%arg0: i32, %arg1: i32, %arg2: memref<131072xi32, #tpu.memory_space<hbm>>, %arg3: memref<4240xf32, #tpu.memory_space<hbm>>, %arg4: memref<12288xf32, #tpu.memory_space<hbm>>, %arg5: memref<4096xi32, #tpu.memory_space<vmem>>, %arg6: memref<32768xi32, #tpu.memory_space<vmem>>, %arg7: memref<72xf32, #tpu.memory_space<vmem>>, %arg8: memref<64xf32, #tpu.memory_space<vmem>>, %arg9: memref<4104xf32, #tpu.memory_space<vmem>>, %arg10: memref<127xf32, #tpu.memory_space<smem>>, %arg11: memref<384xf32, #tpu.memory_space<vmem>>) attributes {dimension_semantics = [#tpu.dimension_semantics<core_parallel>, #tpu.dimension_semantics<subcore_parallel>], iteration_bounds = array<i64: 2, 16>, scalar_prefetch = 0 : i64, scratch_operands = 7 : i64, tpu.core_type = #tpu.core_type<sc_vector_subcore>, window_params = [{transform_indices = #map}, {transform_indices = #map}, {transform_indices = #map}]} {
    %mul3A = arith.constant 2 : i32
    %mul3A_0 = arith.muli %arg1, %mul3A : i32
    %add3A = arith.addi %mul3A_0, %arg0 : i32
    %mul3A_1 = arith.constant 4096 : i32
    %mul3A_2 = arith.muli %add3A, %mul3A_1 : i32
    "tpu.region"() ({
      %run_scoped3A = tpu.sem_alloc : memref<!tpu.dma_semaphore, #tpu.memory_space<semaphore_mem>>
      %dma_start3A = tpu.memref_slice %arg2[%mul3A_2] : memref<131072xi32, #tpu.memory_space<hbm>> -> memref<4096xi32, #tpu.memory_space<hbm>>
      %dma_start3A_329 = tpu.memref_slice %arg2[%mul3A_2] : memref<131072xi32, #tpu.memory_space<hbm>> -> memref<4096xi32, #tpu.memory_space<hbm>>
      tpu.enqueue_dma source(%dma_start3A_329 : memref<4096xi32, #tpu.memory_space<hbm>>) target(%arg5 : memref<4096xi32, #tpu.memory_space<vmem>>) target_semaphore(%run_scoped3A : memref<!tpu.dma_semaphore, #tpu.memory_space<semaphore_mem>>)
      %dma_wait3A = tpu.memref_slice %arg2[%mul3A_2] : memref<131072xi32, #tpu.memory_space<hbm>> -> memref<4096xi32, #tpu.memory_space<hbm>>
      %dma_wait3A_330 = tpu.memref_slice %arg2[%mul3A_2] : memref<131072xi32, #tpu.memory_space<hbm>> -> memref<4096xi32, #tpu.memory_space<hbm>>
      tpu.wait_dma2 semaphore(%run_scoped3A : memref<!tpu.dma_semaphore, #tpu.memory_space<semaphore_mem>>) src(%dma_wait3A_330 : memref<4096xi32, #tpu.memory_space<hbm>>) dst(%arg5 : memref<4096xi32, #tpu.memory_space<vmem>>)
      tpu.yield
    }) : () -> ()
    "tpu.region"() ({
      %run_scoped3A = tpu.sem_alloc : memref<!tpu.dma_semaphore, #tpu.memory_space<semaphore_mem>>
      %dma_start3A = arith.constant 0 : i32
      %dma_start3A_329 = tpu.memref_slice %arg3[%dma_start3A] : memref<4240xf32, #tpu.memory_space<hbm>> -> memref<72xf32, #tpu.memory_space<hbm>>
      %dma_start3A_330 = arith.constant 0 : i32
      %dma_start3A_331 = tpu.memref_slice %arg3[%dma_start3A_330] : memref<4240xf32, #tpu.memory_space<hbm>> -> memref<72xf32, #tpu.memory_space<hbm>>
      tpu.enqueue_dma source(%dma_start3A_331 : memref<72xf32, #tpu.memory_space<hbm>>) target(%arg7 : memref<72xf32, #tpu.memory_space<vmem>>) target_semaphore(%run_scoped3A : memref<!tpu.dma_semaphore, #tpu.memory_space<semaphore_mem>>)
      %dma_wait3A = arith.constant 0 : i32
      %dma_wait3A_332 = tpu.memref_slice %arg3[%dma_wait3A] : memref<4240xf32, #tpu.memory_space<hbm>> -> memref<72xf32, #tpu.memory_space<hbm>>
      %dma_wait3A_333 = arith.constant 0 : i32
      %dma_wait3A_334 = tpu.memref_slice %arg3[%dma_wait3A_333] : memref<4240xf32, #tpu.memory_space<hbm>> -> memref<72xf32, #tpu.memory_space<hbm>>
      tpu.wait_dma2 semaphore(%run_scoped3A : memref<!tpu.dma_semaphore, #tpu.memory_space<semaphore_mem>>) src(%dma_wait3A_334 : memref<72xf32, #tpu.memory_space<hbm>>) dst(%arg7 : memref<72xf32, #tpu.memory_space<vmem>>)
      tpu.yield
    }) : () -> ()
    "tpu.region"() ({
      %run_scoped3A = tpu.sem_alloc : memref<!tpu.dma_semaphore, #tpu.memory_space<semaphore_mem>>
      %dma_start3A = arith.constant 72 : i32
      %dma_start3A_329 = tpu.memref_slice %arg3[%dma_start3A] : memref<4240xf32, #tpu.memory_space<hbm>> -> memref<64xf32, #tpu.memory_space<hbm>>
      %dma_start3A_330 = arith.constant 72 : i32
      %dma_start3A_331 = tpu.memref_slice %arg3[%dma_start3A_330] : memref<4240xf32, #tpu.memory_space<hbm>> -> memref<64xf32, #tpu.memory_space<hbm>>
      tpu.enqueue_dma source(%dma_start3A_331 : memref<64xf32, #tpu.memory_space<hbm>>) target(%arg8 : memref<64xf32, #tpu.memory_space<vmem>>) target_semaphore(%run_scoped3A : memref<!tpu.dma_semaphore, #tpu.memory_space<semaphore_mem>>)
      %dma_wait3A = arith.constant 72 : i32
      %dma_wait3A_332 = tpu.memref_slice %arg3[%dma_wait3A] : memref<4240xf32, #tpu.memory_space<hbm>> -> memref<64xf32, #tpu.memory_space<hbm>>
      %dma_wait3A_333 = arith.constant 72 : i32
      %dma_wait3A_334 = tpu.memref_slice %arg3[%dma_wait3A_333] : memref<4240xf32, #tpu.memory_space<hbm>> -> memref<64xf32, #tpu.memory_space<hbm>>
      tpu.wait_dma2 semaphore(%run_scoped3A : memref<!tpu.dma_semaphore, #tpu.memory_space<semaphore_mem>>) src(%dma_wait3A_334 : memref<64xf32, #tpu.memory_space<hbm>>) dst(%arg8 : memref<64xf32, #tpu.memory_space<vmem>>)
      tpu.yield
    }) : () -> ()
    "tpu.region"() ({
      %run_scoped3A = tpu.sem_alloc : memref<!tpu.dma_semaphore, #tpu.memory_space<semaphore_mem>>
      %dma_start3A = arith.constant 136 : i32
      %dma_start3A_329 = tpu.memref_slice %arg3[%dma_start3A] : memref<4240xf32, #tpu.memory_space<hbm>> -> memref<4104xf32, #tpu.memory_space<hbm>>
      %dma_start3A_330 = arith.constant 136 : i32
      %dma_start3A_331 = tpu.memref_slice %arg3[%dma_start3A_330] : memref<4240xf32, #tpu.memory_space<hbm>> -> memref<4104xf32, #tpu.memory_space<hbm>>
      tpu.enqueue_dma source(%dma_start3A_331 : memref<4104xf32, #tpu.memory_space<hbm>>) target(%arg9 : memref<4104xf32, #tpu.memory_space<vmem>>) target_semaphore(%run_scoped3A : memref<!tpu.dma_semaphore, #tpu.memory_space<semaphore_mem>>)
      %dma_wait3A = arith.constant 136 : i32
      %dma_wait3A_332 = tpu.memref_slice %arg3[%dma_wait3A] : memref<4240xf32, #tpu.memory_space<hbm>> -> memref<4104xf32, #tpu.memory_space<hbm>>
      %dma_wait3A_333 = arith.constant 136 : i32
      %dma_wait3A_334 = tpu.memref_slice %arg3[%dma_wait3A_333] : memref<4240xf32, #tpu.memory_space<hbm>> -> memref<4104xf32, #tpu.memory_space<hbm>>
      tpu.wait_dma2 semaphore(%run_scoped3A : memref<!tpu.dma_semaphore, #tpu.memory_space<semaphore_mem>>) src(%dma_wait3A_334 : memref<4104xf32, #tpu.memory_space<hbm>>) dst(%arg9 : memref<4104xf32, #tpu.memory_space<vmem>>)
      tpu.yield
    }) : () -> ()
    %iota3A = tpu.iota {dimensions = array<i32: 0>} : vector<16xi32>
    %broadcast_in_dim3A = arith.constant 0 : i32
    %broadcast_in_dim3A_3 = vector.broadcast %broadcast_in_dim3A : i32 to vector<16xi32>
    %broadcast_in_dim3A_4 = arith.constant 1 : i32
    %broadcast_in_dim3A_5 = vector.broadcast %broadcast_in_dim3A_4 : i32 to vector<16xi32>
    %mul3A_6 = arith.constant 32 : i32
    %mul3A_7 = vector.broadcast %mul3A_6 : i32 to vector<16xi32>
    %mul3A_8 = arith.muli %iota3A, %mul3A_7 : vector<16xi32>
    %mul3A_9 = arith.constant 256 : i32
    %mul3A_10 = vector.broadcast %mul3A_9 : i32 to vector<16xi32>
    %mul3A_11 = arith.muli %iota3A, %mul3A_10 : vector<16xi32>
    %scan3A = arith.constant 0 : i32
    %scan3A_12 = arith.constant 0 : i32
    %scan3A_13 = arith.constant 2048 : i32
    %scan3A_14 = arith.addi %scan3A_12, %scan3A_13 : i32
    %scan3A_15 = arith.constant 1 : i32
    scf.for %scan3A_329 = %scan3A_12 to %scan3A_14 step %scan3A_15  : i32 {
      %mul3A_330 = arith.constant 16 : i32
      %mul3A_331 = arith.muli %scan3A_329, %mul3A_330 : i32
      %swap3A_332 = arith.index_cast %mul3A_331 : i32 to index
      %swap3A_333 = tpu.vector_load %arg6[%swap3A_332] {strides = array<i32>} : memref<32768xi32, #tpu.memory_space<vmem>>, vector<16xi32>,
      tpu.vector_store %arg6[%swap3A_332], %broadcast_in_dim3A_3 {strides = array<i32>} : memref<32768xi32, #tpu.memory_space<vmem>>, vector<16xi32>,
    }
    %scan3A_16 = arith.constant 2048 : i32
    %scan3A_17 = arith.constant 0 : i32
    %scan3A_18 = arith.constant 0 : i32
    %scan3A_19 = arith.constant 256 : i32
    %scan3A_20 = arith.addi %scan3A_18, %scan3A_19 : i32
    %scan3A_21 = arith.constant 1 : i32
    scf.for %scan3A_329 = %scan3A_18 to %scan3A_20 step %scan3A_21  : i32 {
      %shift_right_arithmetic3A = arith.constant 5 : i32
      %shift_right_arithmetic3A_330 = arith.shrsi %scan3A_329, %shift_right_arithmetic3A : i32
      %and3A = arith.constant 31 : i32
      %and3A_331 = arith.andi %scan3A_329, %and3A : i32
      %mul3A_332 = arith.constant 512 : i32
      %mul3A_333 = arith.muli %shift_right_arithmetic3A_330, %mul3A_332 : i32
      %add3A_334 = arith.addi %mul3A_333, %and3A_331 : i32
      %add3A_335 = vector.broadcast %add3A_334 : i32 to vector<16xi32>
      %add3A_336 = arith.addi %add3A_335, %mul3A_8 : vector<16xi32>
      %gather3A_337 = tpu.vector_load_idx %arg5[%add3A_336] : memref<4096xi32, #tpu.memory_space<vmem>>[vector<16xi32>], vector<16xi32>,
      %max3A = arith.constant 0 : i32
      %max3A_338 = vector.broadcast %max3A : i32 to vector<16xi32>
      %max3A_339 = arith.maxsi %gather3A_337, %max3A_338 : vector<16xi32>
      %min3A = arith.constant 255 : i32
      %min3A_340 = vector.broadcast %min3A : i32 to vector<16xi32>
      %min3A_341 = arith.minsi %max3A_339, %min3A_340 : vector<16xi32>
      %mul3A_342 = arith.constant 4096 : i32
      %mul3A_343 = arith.muli %shift_right_arithmetic3A_330, %mul3A_342 : i32
      %add3A_344 = vector.broadcast %mul3A_343 : i32 to vector<16xi32>
      %add3A_345 = arith.addi %add3A_344, %mul3A_11 : vector<16xi32>
      %add3A_346 = arith.addi %add3A_345, %min3A_341 : vector<16xi32>
      tpu.vector_store_idx %arg6[%add3A_346], %broadcast_in_dim3A_5 {add = true} : memref<32768xi32, #tpu.memory_space<vmem>>[vector<16xi32>], vector<16xi32>,
    }
    %scan3A_22 = arith.constant 256 : i32
    %scan3A_23 = arith.constant 0 : i32
    %scan3A_24 = arith.constant 0 : i32
    %scan3A_25 = arith.constant 127 : i32
    %scan3A_26 = arith.addi %scan3A_24, %scan3A_25 : i32
    %scan3A_27 = arith.constant 1 : i32
    scf.for %scan3A_329 = %scan3A_24 to %scan3A_26 step %scan3A_27  : i32 {
      %broadcast_in_dim3A_330 = arith.constant 0.000000e+00 : f32
      %broadcast_in_dim3A_331 = vector.broadcast %broadcast_in_dim3A_330 : f32 to vector<16xf32>
      %scan3A_332 = arith.constant 0 : i32
      %scan3A_333 = arith.constant 4 : i32
      %scan3A_334 = arith.addi %scan3A_332, %scan3A_333 : i32
      %scan3A_335 = arith.constant 1 : i32
      %scan3A_336 = scf.for %scan3A_344 = %scan3A_332 to %scan3A_334 step %scan3A_335 iter_args(%scan3A_345 = %broadcast_in_dim3A_331) -> (vector<16xf32>)  : i32 {
        %mul3A_346 = arith.constant 32 : i32
        %mul3A_347 = arith.muli %scan3A_329, %mul3A_346 : i32
        %mul3A_348 = arith.constant 16 : i32
        %mul3A_349 = arith.muli %scan3A_344, %mul3A_348 : i32
        %add3A_350 = arith.addi %mul3A_347, %mul3A_349 : i32
        %get3A_351 = arith.index_cast %add3A_350 : i32 to index
        %get3A_352 = tpu.vector_load %arg5[%get3A_351] {strides = array<i32>} : memref<4096xi32, #tpu.memory_space<vmem>>, vector<16xi32>,
        %max3A = arith.constant 0 : i32
        %max3A_353 = vector.broadcast %max3A : i32 to vector<16xi32>
        %max3A_354 = arith.maxsi %get3A_352, %max3A_353 : vector<16xi32>
        %min3A = arith.constant 255 : i32
        %min3A_355 = vector.broadcast %min3A : i32 to vector<16xi32>
        %min3A_356 = arith.minsi %max3A_354, %min3A_355 : vector<16xi32>
        %mul3A_357 = arith.constant 256 : i32
        %mul3A_358 = arith.muli %scan3A_329, %mul3A_357 : i32
        %add3A_359 = vector.broadcast %mul3A_358 : i32 to vector<16xi32>
        %add3A_360 = arith.addi %add3A_359, %min3A_356 : vector<16xi32>
        %gather3A_361 = tpu.vector_load_idx %arg6[%add3A_360] : memref<32768xi32, #tpu.memory_space<vmem>>[vector<16xi32>], vector<16xi32>,
        %mul3A_362 = arith.constant 256 : i32
        %mul3A_363 = arith.muli %scan3A_329, %mul3A_362 : i32
        %add3A_364 = arith.constant 256 : i32
        %add3A_365 = arith.addi %mul3A_363, %add3A_364 : i32
        %add3A_366 = vector.broadcast %add3A_365 : i32 to vector<16xi32>
        %add3A_367 = arith.addi %add3A_366, %min3A_356 : vector<16xi32>
        %gather3A_368 = tpu.vector_load_idx %arg6[%add3A_367] : memref<32768xi32, #tpu.memory_space<vmem>>[vector<16xi32>], vector<16xi32>,
        %add3A_369 = arith.addi %gather3A_361, %gather3A_368 : vector<16xi32>
        %gather3A_370 = tpu.vector_load_idx %arg7[%add3A_369] : memref<72xf32, #tpu.memory_space<vmem>>[vector<16xi32>], vector<16xf32>,
        %add3A_371 = arith.addf %scan3A_345, %gather3A_370 : vector<16xf32>
        scf.yield %add3A_371 : vector<16xf32>
      }
      %scan3A_337 = arith.constant 4 : i32
      %reduce_sum3A_338 = arith.constant true
      %reduce_sum3A_339 = vector.broadcast %reduce_sum3A_338 : i1 to vector<16xi1>
      %reduce_sum3A_340 = tpu.scan <sum>, %scan3A_336 masked %reduce_sum3A_339 : vector<16xf32>, vector<16xi1> -> vector<16xf32>
      %reduce_sum3A_341 = vector.extract %reduce_sum3A_340[15] : f32 from vector<16xf32>
      %swap3A_342 = arith.index_cast %scan3A_329 : i32 to index
      %swap3A_343 = memref.load %arg10[%swap3A_342] : memref<127xf32, #tpu.memory_space<smem>>
      memref.store %reduce_sum3A_341, %arg10[%swap3A_342] : memref<127xf32, #tpu.memory_space<smem>>
    }
    %scan3A_28 = arith.constant 127 : i32
    %broadcast_in_dim3A_29 = arith.constant 0.000000e+00 : f32
    %broadcast_in_dim3A_30 = vector.broadcast %broadcast_in_dim3A_29 : f32 to vector<16xf32>
    %scan3A_31 = arith.constant 0 : i32
    %scan3A_32 = arith.constant 128 : i32
    %scan3A_33 = arith.addi %scan3A_31, %scan3A_32 : i32
    %scan3A_34 = arith.constant 1 : i32
    %scan3A_35 = scf.for %scan3A_329 = %scan3A_31 to %scan3A_33 step %scan3A_34 iter_args(%scan3A_330 = %broadcast_in_dim3A_3) -> (vector<16xi32>)  : i32 {
      %mul3A_331 = arith.constant 256 : i32
      %mul3A_332 = arith.muli %scan3A_329, %mul3A_331 : i32
      %add3A_333 = arith.constant 0 : i32
      %add3A_334 = arith.addi %mul3A_332, %add3A_333 : i32
      %get3A_335 = arith.index_cast %add3A_334 : i32 to index
      %get3A_336 = tpu.vector_load %arg6[%get3A_335] {strides = array<i32>} : memref<32768xi32, #tpu.memory_space<vmem>>, vector<16xi32>,
      %add3A_337 = arith.addi %scan3A_330, %get3A_336 : vector<16xi32>
      scf.yield %add3A_337 : vector<16xi32>
    }
    %scan3A_36 = arith.constant 128 : i32
    %convert_element_type3A = arith.sitofp %scan3A_35 : vector<16xi32> to vector<16xf32>
    %mul3A_37 = arith.constant 2.44140625E-4 : f32
    %mul3A_38 = vector.broadcast %mul3A_37 : f32 to vector<16xf32>
    %mul3A_39 = arith.mulf %convert_element_type3A, %mul3A_38 : vector<16xf32>
    %swap3A = arith.constant 0 : index
    %swap3A_40 = tpu.vector_load %arg11[%swap3A] {strides = array<i32>} : memref<384xf32, #tpu.memory_space<vmem>>, vector<16xf32>,
    tpu.vector_store %arg11[%swap3A], %mul3A_39 {strides = array<i32>} : memref<384xf32, #tpu.memory_space<vmem>>, vector<16xf32>,
    %gather3A = tpu.vector_load_idx %arg9[%scan3A_35] : memref<4104xf32, #tpu.memory_space<vmem>>[vector<16xi32>], vector<16xf32>,
    %add3A_41 = arith.addf %broadcast_in_dim3A_30, %gather3A : vector<16xf32>
    %scan3A_42 = arith.constant 0 : i32
    %scan3A_43 = arith.constant 128 : i32
    %scan3A_44 = arith.addi %scan3A_42, %scan3A_43 : i32
    %scan3A_45 = arith.constant 1 : i32
    %scan3A_46 = scf.for %scan3A_329 = %scan3A_42 to %scan3A_44 step %scan3A_45 iter_args(%scan3A_330 = %broadcast_in_dim3A_3) -> (vector<16xi32>)  : i32 {
      %mul3A_331 = arith.constant 256 : i32
      %mul3A_332 = arith.muli %scan3A_329, %mul3A_331 : i32
      %add3A_333 = arith.constant 16 : i32
      %add3A_334 = arith.addi %mul3A_332, %add3A_333 : i32
      %get3A_335 = arith.index_cast %add3A_334 : i32 to index
      %get3A_336 = tpu.vector_load %arg6[%get3A_335] {strides = array<i32>} : memref<32768xi32, #tpu.memory_space<vmem>>, vector<16xi32>,
      %add3A_337 = arith.addi %scan3A_330, %get3A_336 : vector<16xi32>
      scf.yield %add3A_337 : vector<16xi32>
    }
    %scan3A_47 = arith.constant 128 : i32
    %convert_element_type3A_48 = arith.sitofp %scan3A_46 : vector<16xi32> to vector<16xf32>
    %mul3A_49 = arith.constant 2.44140625E-4 : f32
    %mul3A_50 = vector.broadcast %mul3A_49 : f32 to vector<16xf32>
    %mul3A_51 = arith.mulf %convert_element_type3A_48, %mul3A_50 : vector<16xf32>
    %swap3A_52 = arith.constant 16 : index
    %swap3A_53 = tpu.vector_load %arg11[%swap3A_52] {strides = array<i32>} : memref<384xf32, #tpu.memory_space<vmem>>, vector<16xf32>,
    tpu.vector_store %arg11[%swap3A_52], %mul3A_51 {strides = array<i32>} : memref<384xf32, #tpu.memory_space<vmem>>, vector<16xf32>,
    %gather3A_54 = tpu.vector_load_idx %arg9[%scan3A_46] : memref<4104xf32, #tpu.memory_space<vmem>>[vector<16xi32>], vector<16xf32>,
    %add3A_55 = arith.addf %add3A_41, %gather3A_54 : vector<16xf32>
    %scan3A_56 = arith.constant 0 : i32
    %scan3A_57 = arith.constant 128 : i32
    %scan3A_58 = arith.addi %scan3A_56, %scan3A_57 : i32
    %scan3A_59 = arith.constant 1 : i32
    %scan3A_60 = scf.for %scan3A_329 = %scan3A_56 to %scan3A_58 step %scan3A_59 iter_args(%scan3A_330 = %broadcast_in_dim3A_3) -> (vector<16xi32>)  : i32 {
      %mul3A_331 = arith.constant 256 : i32
      %mul3A_332 = arith.muli %scan3A_329, %mul3A_331 : i32
      %add3A_333 = arith.constant 32 : i32
      %add3A_334 = arith.addi %mul3A_332, %add3A_333 : i32
      %get3A_335 = arith.index_cast %add3A_334 : i32 to index
      %get3A_336 = tpu.vector_load %arg6[%get3A_335] {strides = array<i32>} : memref<32768xi32, #tpu.memory_space<vmem>>, vector<16xi32>,
      %add3A_337 = arith.addi %scan3A_330, %get3A_336 : vector<16xi32>
      scf.yield %add3A_337 : vector<16xi32>
    }
    %scan3A_61 = arith.constant 128 : i32
    %convert_element_type3A_62 = arith.sitofp %scan3A_60 : vector<16xi32> to vector<16xf32>
    %mul3A_63 = arith.constant 2.44140625E-4 : f32
    %mul3A_64 = vector.broadcast %mul3A_63 : f32 to vector<16xf32>
    %mul3A_65 = arith.mulf %convert_element_type3A_62, %mul3A_64 : vector<16xf32>
    %swap3A_66 = arith.constant 32 : index
    %swap3A_67 = tpu.vector_load %arg11[%swap3A_66] {strides = array<i32>} : memref<384xf32, #tpu.memory_space<vmem>>, vector<16xf32>,
    tpu.vector_store %arg11[%swap3A_66], %mul3A_65 {strides = array<i32>} : memref<384xf32, #tpu.memory_space<vmem>>, vector<16xf32>,
    %gather3A_68 = tpu.vector_load_idx %arg9[%scan3A_60] : memref<4104xf32, #tpu.memory_space<vmem>>[vector<16xi32>], vector<16xf32>,
    %add3A_69 = arith.addf %add3A_55, %gather3A_68 : vector<16xf32>
    %scan3A_70 = arith.constant 0 : i32
    %scan3A_71 = arith.constant 128 : i32
    %scan3A_72 = arith.addi %scan3A_70, %scan3A_71 : i32
    %scan3A_73 = arith.constant 1 : i32
    %scan3A_74 = scf.for %scan3A_329 = %scan3A_70 to %scan3A_72 step %scan3A_73 iter_args(%scan3A_330 = %broadcast_in_dim3A_3) -> (vector<16xi32>)  : i32 {
      %mul3A_331 = arith.constant 256 : i32
      %mul3A_332 = arith.muli %scan3A_329, %mul3A_331 : i32
      %add3A_333 = arith.constant 48 : i32
      %add3A_334 = arith.addi %mul3A_332, %add3A_333 : i32
      %get3A_335 = arith.index_cast %add3A_334 : i32 to index
      %get3A_336 = tpu.vector_load %arg6[%get3A_335] {strides = array<i32>} : memref<32768xi32, #tpu.memory_space<vmem>>, vector<16xi32>,
      %add3A_337 = arith.addi %scan3A_330, %get3A_336 : vector<16xi32>
      scf.yield %add3A_337 : vector<16xi32>
    }
    %scan3A_75 = arith.constant 128 : i32
    %convert_element_type3A_76 = arith.sitofp %scan3A_74 : vector<16xi32> to vector<16xf32>
    %mul3A_77 = arith.constant 2.44140625E-4 : f32
    %mul3A_78 = vector.broadcast %mul3A_77 : f32 to vector<16xf32>
    %mul3A_79 = arith.mulf %convert_element_type3A_76, %mul3A_78 : vector<16xf32>
    %swap3A_80 = arith.constant 48 : index
    %swap3A_81 = tpu.vector_load %arg11[%swap3A_80] {strides = array<i32>} : memref<384xf32, #tpu.memory_space<vmem>>, vector<16xf32>,
    tpu.vector_store %arg11[%swap3A_80], %mul3A_79 {strides = array<i32>} : memref<384xf32, #tpu.memory_space<vmem>>, vector<16xf32>,
    %gather3A_82 = tpu.vector_load_idx %arg9[%scan3A_74] : memref<4104xf32, #tpu.memory_space<vmem>>[vector<16xi32>], vector<16xf32>,
    %add3A_83 = arith.addf %add3A_69, %gather3A_82 : vector<16xf32>
    %scan3A_84 = arith.constant 0 : i32
    %scan3A_85 = arith.constant 128 : i32
    %scan3A_86 = arith.addi %scan3A_84, %scan3A_85 : i32
    %scan3A_87 = arith.constant 1 : i32
    %scan3A_88 = scf.for %scan3A_329 = %scan3A_84 to %scan3A_86 step %scan3A_87 iter_args(%scan3A_330 = %broadcast_in_dim3A_3) -> (vector<16xi32>)  : i32 {
      %mul3A_331 = arith.constant 256 : i32
      %mul3A_332 = arith.muli %scan3A_329, %mul3A_331 : i32
      %add3A_333 = arith.constant 64 : i32
      %add3A_334 = arith.addi %mul3A_332, %add3A_333 : i32
      %get3A_335 = arith.index_cast %add3A_334 : i32 to index
      %get3A_336 = tpu.vector_load %arg6[%get3A_335] {strides = array<i32>} : memref<32768xi32, #tpu.memory_space<vmem>>, vector<16xi32>,
      %add3A_337 = arith.addi %scan3A_330, %get3A_336 : vector<16xi32>
      scf.yield %add3A_337 : vector<16xi32>
    }
    %scan3A_89 = arith.constant 128 : i32
    %convert_element_type3A_90 = arith.sitofp %scan3A_88 : vector<16xi32> to vector<16xf32>
    %mul3A_91 = arith.constant 2.44140625E-4 : f32
    %mul3A_92 = vector.broadcast %mul3A_91 : f32 to vector<16xf32>
    %mul3A_93 = arith.mulf %convert_element_type3A_90, %mul3A_92 : vector<16xf32>
    %swap3A_94 = arith.constant 64 : index
    %swap3A_95 = tpu.vector_load %arg11[%swap3A_94] {strides = array<i32>} : memref<384xf32, #tpu.memory_space<vmem>>, vector<16xf32>,
    tpu.vector_store %arg11[%swap3A_94], %mul3A_93 {strides = array<i32>} : memref<384xf32, #tpu.memory_space<vmem>>, vector<16xf32>,
    %gather3A_96 = tpu.vector_load_idx %arg9[%scan3A_88] : memref<4104xf32, #tpu.memory_space<vmem>>[vector<16xi32>], vector<16xf32>,
    %add3A_97 = arith.addf %add3A_83, %gather3A_96 : vector<16xf32>
    %scan3A_98 = arith.constant 0 : i32
    %scan3A_99 = arith.constant 128 : i32
    %scan3A_100 = arith.addi %scan3A_98, %scan3A_99 : i32
    %scan3A_101 = arith.constant 1 : i32
    %scan3A_102 = scf.for %scan3A_329 = %scan3A_98 to %scan3A_100 step %scan3A_101 iter_args(%scan3A_330 = %broadcast_in_dim3A_3) -> (vector<16xi32>)  : i32 {
      %mul3A_331 = arith.constant 256 : i32
      %mul3A_332 = arith.muli %scan3A_329, %mul3A_331 : i32
      %add3A_333 = arith.constant 80 : i32
      %add3A_334 = arith.addi %mul3A_332, %add3A_333 : i32
      %get3A_335 = arith.index_cast %add3A_334 : i32 to index
      %get3A_336 = tpu.vector_load %arg6[%get3A_335] {strides = array<i32>} : memref<32768xi32, #tpu.memory_space<vmem>>, vector<16xi32>,
      %add3A_337 = arith.addi %scan3A_330, %get3A_336 : vector<16xi32>
      scf.yield %add3A_337 : vector<16xi32>
    }
    %scan3A_103 = arith.constant 128 : i32
    %convert_element_type3A_104 = arith.sitofp %scan3A_102 : vector<16xi32> to vector<16xf32>
    %mul3A_105 = arith.constant 2.44140625E-4 : f32
    %mul3A_106 = vector.broadcast %mul3A_105 : f32 to vector<16xf32>
    %mul3A_107 = arith.mulf %convert_element_type3A_104, %mul3A_106 : vector<16xf32>
    %swap3A_108 = arith.constant 80 : index
    %swap3A_109 = tpu.vector_load %arg11[%swap3A_108] {strides = array<i32>} : memref<384xf32, #tpu.memory_space<vmem>>, vector<16xf32>,
    tpu.vector_store %arg11[%swap3A_108], %mul3A_107 {strides = array<i32>} : memref<384xf32, #tpu.memory_space<vmem>>, vector<16xf32>,
    %gather3A_110 = tpu.vector_load_idx %arg9[%scan3A_102] : memref<4104xf32, #tpu.memory_space<vmem>>[vector<16xi32>], vector<16xf32>,
    %add3A_111 = arith.addf %add3A_97, %gather3A_110 : vector<16xf32>
    %scan3A_112 = arith.constant 0 : i32
    %scan3A_113 = arith.constant 128 : i32
    %scan3A_114 = arith.addi %scan3A_112, %scan3A_113 : i32
    %scan3A_115 = arith.constant 1 : i32
    %scan3A_116 = scf.for %scan3A_329 = %scan3A_112 to %scan3A_114 step %scan3A_115 iter_args(%scan3A_330 = %broadcast_in_dim3A_3) -> (vector<16xi32>)  : i32 {
      %mul3A_331 = arith.constant 256 : i32
      %mul3A_332 = arith.muli %scan3A_329, %mul3A_331 : i32
      %add3A_333 = arith.constant 96 : i32
      %add3A_334 = arith.addi %mul3A_332, %add3A_333 : i32
      %get3A_335 = arith.index_cast %add3A_334 : i32 to index
      %get3A_336 = tpu.vector_load %arg6[%get3A_335] {strides = array<i32>} : memref<32768xi32, #tpu.memory_space<vmem>>, vector<16xi32>,
      %add3A_337 = arith.addi %scan3A_330, %get3A_336 : vector<16xi32>
      scf.yield %add3A_337 : vector<16xi32>
    }
    %scan3A_117 = arith.constant 128 : i32
    %convert_element_type3A_118 = arith.sitofp %scan3A_116 : vector<16xi32> to vector<16xf32>
    %mul3A_119 = arith.constant 2.44140625E-4 : f32
    %mul3A_120 = vector.broadcast %mul3A_119 : f32 to vector<16xf32>
    %mul3A_121 = arith.mulf %convert_element_type3A_118, %mul3A_120 : vector<16xf32>
    %swap3A_122 = arith.constant 96 : index
    %swap3A_123 = tpu.vector_load %arg11[%swap3A_122] {strides = array<i32>} : memref<384xf32, #tpu.memory_space<vmem>>, vector<16xf32>,
    tpu.vector_store %arg11[%swap3A_122], %mul3A_121 {strides = array<i32>} : memref<384xf32, #tpu.memory_space<vmem>>, vector<16xf32>,
    %gather3A_124 = tpu.vector_load_idx %arg9[%scan3A_116] : memref<4104xf32, #tpu.memory_space<vmem>>[vector<16xi32>], vector<16xf32>,
    %add3A_125 = arith.addf %add3A_111, %gather3A_124 : vector<16xf32>
    %scan3A_126 = arith.constant 0 : i32
    %scan3A_127 = arith.constant 128 : i32
    %scan3A_128 = arith.addi %scan3A_126, %scan3A_127 : i32
    %scan3A_129 = arith.constant 1 : i32
    %scan3A_130 = scf.for %scan3A_329 = %scan3A_126 to %scan3A_128 step %scan3A_129 iter_args(%scan3A_330 = %broadcast_in_dim3A_3) -> (vector<16xi32>)  : i32 {
      %mul3A_331 = arith.constant 256 : i32
      %mul3A_332 = arith.muli %scan3A_329, %mul3A_331 : i32
      %add3A_333 = arith.constant 112 : i32
      %add3A_334 = arith.addi %mul3A_332, %add3A_333 : i32
      %get3A_335 = arith.index_cast %add3A_334 : i32 to index
      %get3A_336 = tpu.vector_load %arg6[%get3A_335] {strides = array<i32>} : memref<32768xi32, #tpu.memory_space<vmem>>, vector<16xi32>,
      %add3A_337 = arith.addi %scan3A_330, %get3A_336 : vector<16xi32>
      scf.yield %add3A_337 : vector<16xi32>
    }
    %scan3A_131 = arith.constant 128 : i32
    %convert_element_type3A_132 = arith.sitofp %scan3A_130 : vector<16xi32> to vector<16xf32>
    %mul3A_133 = arith.constant 2.44140625E-4 : f32
    %mul3A_134 = vector.broadcast %mul3A_133 : f32 to vector<16xf32>
    %mul3A_135 = arith.mulf %convert_element_type3A_132, %mul3A_134 : vector<16xf32>
    %swap3A_136 = arith.constant 112 : index
    %swap3A_137 = tpu.vector_load %arg11[%swap3A_136] {strides = array<i32>} : memref<384xf32, #tpu.memory_space<vmem>>, vector<16xf32>,
    tpu.vector_store %arg11[%swap3A_136], %mul3A_135 {strides = array<i32>} : memref<384xf32, #tpu.memory_space<vmem>>, vector<16xf32>,
    %gather3A_138 = tpu.vector_load_idx %arg9[%scan3A_130] : memref<4104xf32, #tpu.memory_space<vmem>>[vector<16xi32>], vector<16xf32>,
    %add3A_139 = arith.addf %add3A_125, %gather3A_138 : vector<16xf32>
    %scan3A_140 = arith.constant 0 : i32
    %scan3A_141 = arith.constant 128 : i32
    %scan3A_142 = arith.addi %scan3A_140, %scan3A_141 : i32
    %scan3A_143 = arith.constant 1 : i32
    %scan3A_144 = scf.for %scan3A_329 = %scan3A_140 to %scan3A_142 step %scan3A_143 iter_args(%scan3A_330 = %broadcast_in_dim3A_3) -> (vector<16xi32>)  : i32 {
      %mul3A_331 = arith.constant 256 : i32
      %mul3A_332 = arith.muli %scan3A_329, %mul3A_331 : i32
      %add3A_333 = arith.constant 128 : i32
      %add3A_334 = arith.addi %mul3A_332, %add3A_333 : i32
      %get3A_335 = arith.index_cast %add3A_334 : i32 to index
      %get3A_336 = tpu.vector_load %arg6[%get3A_335] {strides = array<i32>} : memref<32768xi32, #tpu.memory_space<vmem>>, vector<16xi32>,
      %add3A_337 = arith.addi %scan3A_330, %get3A_336 : vector<16xi32>
      scf.yield %add3A_337 : vector<16xi32>
    }
    %scan3A_145 = arith.constant 128 : i32
    %convert_element_type3A_146 = arith.sitofp %scan3A_144 : vector<16xi32> to vector<16xf32>
    %mul3A_147 = arith.constant 2.44140625E-4 : f32
    %mul3A_148 = vector.broadcast %mul3A_147 : f32 to vector<16xf32>
    %mul3A_149 = arith.mulf %convert_element_type3A_146, %mul3A_148 : vector<16xf32>
    %swap3A_150 = arith.constant 128 : index
    %swap3A_151 = tpu.vector_load %arg11[%swap3A_150] {strides = array<i32>} : memref<384xf32, #tpu.memory_space<vmem>>, vector<16xf32>,
    tpu.vector_store %arg11[%swap3A_150], %mul3A_149 {strides = array<i32>} : memref<384xf32, #tpu.memory_space<vmem>>, vector<16xf32>,
    %gather3A_152 = tpu.vector_load_idx %arg9[%scan3A_144] : memref<4104xf32, #tpu.memory_space<vmem>>[vector<16xi32>], vector<16xf32>,
    %add3A_153 = arith.addf %add3A_139, %gather3A_152 : vector<16xf32>
    %scan3A_154 = arith.constant 0 : i32
    %scan3A_155 = arith.constant 128 : i32
    %scan3A_156 = arith.addi %scan3A_154, %scan3A_155 : i32
    %scan3A_157 = arith.constant 1 : i32
    %scan3A_158 = scf.for %scan3A_329 = %scan3A_154 to %scan3A_156 step %scan3A_157 iter_args(%scan3A_330 = %broadcast_in_dim3A_3) -> (vector<16xi32>)  : i32 {
      %mul3A_331 = arith.constant 256 : i32
      %mul3A_332 = arith.muli %scan3A_329, %mul3A_331 : i32
      %add3A_333 = arith.constant 144 : i32
      %add3A_334 = arith.addi %mul3A_332, %add3A_333 : i32
      %get3A_335 = arith.index_cast %add3A_334 : i32 to index
      %get3A_336 = tpu.vector_load %arg6[%get3A_335] {strides = array<i32>} : memref<32768xi32, #tpu.memory_space<vmem>>, vector<16xi32>,
      %add3A_337 = arith.addi %scan3A_330, %get3A_336 : vector<16xi32>
      scf.yield %add3A_337 : vector<16xi32>
    }
    %scan3A_159 = arith.constant 128 : i32
    %convert_element_type3A_160 = arith.sitofp %scan3A_158 : vector<16xi32> to vector<16xf32>
    %mul3A_161 = arith.constant 2.44140625E-4 : f32
    %mul3A_162 = vector.broadcast %mul3A_161 : f32 to vector<16xf32>
    %mul3A_163 = arith.mulf %convert_element_type3A_160, %mul3A_162 : vector<16xf32>
    %swap3A_164 = arith.constant 144 : index
    %swap3A_165 = tpu.vector_load %arg11[%swap3A_164] {strides = array<i32>} : memref<384xf32, #tpu.memory_space<vmem>>, vector<16xf32>,
    tpu.vector_store %arg11[%swap3A_164], %mul3A_163 {strides = array<i32>} : memref<384xf32, #tpu.memory_space<vmem>>, vector<16xf32>,
    %gather3A_166 = tpu.vector_load_idx %arg9[%scan3A_158] : memref<4104xf32, #tpu.memory_space<vmem>>[vector<16xi32>], vector<16xf32>,
    %add3A_167 = arith.addf %add3A_153, %gather3A_166 : vector<16xf32>
    %scan3A_168 = arith.constant 0 : i32
    %scan3A_169 = arith.constant 128 : i32
    %scan3A_170 = arith.addi %scan3A_168, %scan3A_169 : i32
    %scan3A_171 = arith.constant 1 : i32
    %scan3A_172 = scf.for %scan3A_329 = %scan3A_168 to %scan3A_170 step %scan3A_171 iter_args(%scan3A_330 = %broadcast_in_dim3A_3) -> (vector<16xi32>)  : i32 {
      %mul3A_331 = arith.constant 256 : i32
      %mul3A_332 = arith.muli %scan3A_329, %mul3A_331 : i32
      %add3A_333 = arith.constant 160 : i32
      %add3A_334 = arith.addi %mul3A_332, %add3A_333 : i32
      %get3A_335 = arith.index_cast %add3A_334 : i32 to index
      %get3A_336 = tpu.vector_load %arg6[%get3A_335] {strides = array<i32>} : memref<32768xi32, #tpu.memory_space<vmem>>, vector<16xi32>,
      %add3A_337 = arith.addi %scan3A_330, %get3A_336 : vector<16xi32>
      scf.yield %add3A_337 : vector<16xi32>
    }
    %scan3A_173 = arith.constant 128 : i32
    %convert_element_type3A_174 = arith.sitofp %scan3A_172 : vector<16xi32> to vector<16xf32>
    %mul3A_175 = arith.constant 2.44140625E-4 : f32
    %mul3A_176 = vector.broadcast %mul3A_175 : f32 to vector<16xf32>
    %mul3A_177 = arith.mulf %convert_element_type3A_174, %mul3A_176 : vector<16xf32>
    %swap3A_178 = arith.constant 160 : index
    %swap3A_179 = tpu.vector_load %arg11[%swap3A_178] {strides = array<i32>} : memref<384xf32, #tpu.memory_space<vmem>>, vector<16xf32>,
    tpu.vector_store %arg11[%swap3A_178], %mul3A_177 {strides = array<i32>} : memref<384xf32, #tpu.memory_space<vmem>>, vector<16xf32>,
    %gather3A_180 = tpu.vector_load_idx %arg9[%scan3A_172] : memref<4104xf32, #tpu.memory_space<vmem>>[vector<16xi32>], vector<16xf32>,
    %add3A_181 = arith.addf %add3A_167, %gather3A_180 : vector<16xf32>
    %scan3A_182 = arith.constant 0 : i32
    %scan3A_183 = arith.constant 128 : i32
    %scan3A_184 = arith.addi %scan3A_182, %scan3A_183 : i32
    %scan3A_185 = arith.constant 1 : i32
    %scan3A_186 = scf.for %scan3A_329 = %scan3A_182 to %scan3A_184 step %scan3A_185 iter_args(%scan3A_330 = %broadcast_in_dim3A_3) -> (vector<16xi32>)  : i32 {
      %mul3A_331 = arith.constant 256 : i32
      %mul3A_332 = arith.muli %scan3A_329, %mul3A_331 : i32
      %add3A_333 = arith.constant 176 : i32
      %add3A_334 = arith.addi %mul3A_332, %add3A_333 : i32
      %get3A_335 = arith.index_cast %add3A_334 : i32 to index
      %get3A_336 = tpu.vector_load %arg6[%get3A_335] {strides = array<i32>} : memref<32768xi32, #tpu.memory_space<vmem>>, vector<16xi32>,
      %add3A_337 = arith.addi %scan3A_330, %get3A_336 : vector<16xi32>
      scf.yield %add3A_337 : vector<16xi32>
    }
    %scan3A_187 = arith.constant 128 : i32
    %convert_element_type3A_188 = arith.sitofp %scan3A_186 : vector<16xi32> to vector<16xf32>
    %mul3A_189 = arith.constant 2.44140625E-4 : f32
    %mul3A_190 = vector.broadcast %mul3A_189 : f32 to vector<16xf32>
    %mul3A_191 = arith.mulf %convert_element_type3A_188, %mul3A_190 : vector<16xf32>
    %swap3A_192 = arith.constant 176 : index
    %swap3A_193 = tpu.vector_load %arg11[%swap3A_192] {strides = array<i32>} : memref<384xf32, #tpu.memory_space<vmem>>, vector<16xf32>,
    tpu.vector_store %arg11[%swap3A_192], %mul3A_191 {strides = array<i32>} : memref<384xf32, #tpu.memory_space<vmem>>, vector<16xf32>,
    %gather3A_194 = tpu.vector_load_idx %arg9[%scan3A_186] : memref<4104xf32, #tpu.memory_space<vmem>>[vector<16xi32>], vector<16xf32>,
    %add3A_195 = arith.addf %add3A_181, %gather3A_194 : vector<16xf32>
    %scan3A_196 = arith.constant 0 : i32
    %scan3A_197 = arith.constant 128 : i32
    %scan3A_198 = arith.addi %scan3A_196, %scan3A_197 : i32
    %scan3A_199 = arith.constant 1 : i32
    %scan3A_200 = scf.for %scan3A_329 = %scan3A_196 to %scan3A_198 step %scan3A_199 iter_args(%scan3A_330 = %broadcast_in_dim3A_3) -> (vector<16xi32>)  : i32 {
      %mul3A_331 = arith.constant 256 : i32
      %mul3A_332 = arith.muli %scan3A_329, %mul3A_331 : i32
      %add3A_333 = arith.constant 192 : i32
      %add3A_334 = arith.addi %mul3A_332, %add3A_333 : i32
      %get3A_335 = arith.index_cast %add3A_334 : i32 to index
      %get3A_336 = tpu.vector_load %arg6[%get3A_335] {strides = array<i32>} : memref<32768xi32, #tpu.memory_space<vmem>>, vector<16xi32>,
      %add3A_337 = arith.addi %scan3A_330, %get3A_336 : vector<16xi32>
      scf.yield %add3A_337 : vector<16xi32>
    }
    %scan3A_201 = arith.constant 128 : i32
    %convert_element_type3A_202 = arith.sitofp %scan3A_200 : vector<16xi32> to vector<16xf32>
    %mul3A_203 = arith.constant 2.44140625E-4 : f32
    %mul3A_204 = vector.broadcast %mul3A_203 : f32 to vector<16xf32>
    %mul3A_205 = arith.mulf %convert_element_type3A_202, %mul3A_204 : vector<16xf32>
    %swap3A_206 = arith.constant 192 : index
    %swap3A_207 = tpu.vector_load %arg11[%swap3A_206] {strides = array<i32>} : memref<384xf32, #tpu.memory_space<vmem>>, vector<16xf32>,
    tpu.vector_store %arg11[%swap3A_206], %mul3A_205 {strides = array<i32>} : memref<384xf32, #tpu.memory_space<vmem>>, vector<16xf32>,
    %gather3A_208 = tpu.vector_load_idx %arg9[%scan3A_200] : memref<4104xf32, #tpu.memory_space<vmem>>[vector<16xi32>], vector<16xf32>,
    %add3A_209 = arith.addf %add3A_195, %gather3A_208 : vector<16xf32>
    %scan3A_210 = arith.constant 0 : i32
    %scan3A_211 = arith.constant 128 : i32
    %scan3A_212 = arith.addi %scan3A_210, %scan3A_211 : i32
    %scan3A_213 = arith.constant 1 : i32
    %scan3A_214 = scf.for %scan3A_329 = %scan3A_210 to %scan3A_212 step %scan3A_213 iter_args(%scan3A_330 = %broadcast_in_dim3A_3) -> (vector<16xi32>)  : i32 {
      %mul3A_331 = arith.constant 256 : i32
      %mul3A_332 = arith.muli %scan3A_329, %mul3A_331 : i32
      %add3A_333 = arith.constant 208 : i32
      %add3A_334 = arith.addi %mul3A_332, %add3A_333 : i32
      %get3A_335 = arith.index_cast %add3A_334 : i32 to index
      %get3A_336 = tpu.vector_load %arg6[%get3A_335] {strides = array<i32>} : memref<32768xi32, #tpu.memory_space<vmem>>, vector<16xi32>,
      %add3A_337 = arith.addi %scan3A_330, %get3A_336 : vector<16xi32>
      scf.yield %add3A_337 : vector<16xi32>
    }
    %scan3A_215 = arith.constant 128 : i32
    %convert_element_type3A_216 = arith.sitofp %scan3A_214 : vector<16xi32> to vector<16xf32>
    %mul3A_217 = arith.constant 2.44140625E-4 : f32
    %mul3A_218 = vector.broadcast %mul3A_217 : f32 to vector<16xf32>
    %mul3A_219 = arith.mulf %convert_element_type3A_216, %mul3A_218 : vector<16xf32>
    %swap3A_220 = arith.constant 208 : index
    %swap3A_221 = tpu.vector_load %arg11[%swap3A_220] {strides = array<i32>} : memref<384xf32, #tpu.memory_space<vmem>>, vector<16xf32>,
    tpu.vector_store %arg11[%swap3A_220], %mul3A_219 {strides = array<i32>} : memref<384xf32, #tpu.memory_space<vmem>>, vector<16xf32>,
    %gather3A_222 = tpu.vector_load_idx %arg9[%scan3A_214] : memref<4104xf32, #tpu.memory_space<vmem>>[vector<16xi32>], vector<16xf32>,
    %add3A_223 = arith.addf %add3A_209, %gather3A_222 : vector<16xf32>
    %scan3A_224 = arith.constant 0 : i32
    %scan3A_225 = arith.constant 128 : i32
    %scan3A_226 = arith.addi %scan3A_224, %scan3A_225 : i32
    %scan3A_227 = arith.constant 1 : i32
    %scan3A_228 = scf.for %scan3A_329 = %scan3A_224 to %scan3A_226 step %scan3A_227 iter_args(%scan3A_330 = %broadcast_in_dim3A_3) -> (vector<16xi32>)  : i32 {
      %mul3A_331 = arith.constant 256 : i32
      %mul3A_332 = arith.muli %scan3A_329, %mul3A_331 : i32
      %add3A_333 = arith.constant 224 : i32
      %add3A_334 = arith.addi %mul3A_332, %add3A_333 : i32
      %get3A_335 = arith.index_cast %add3A_334 : i32 to index
      %get3A_336 = tpu.vector_load %arg6[%get3A_335] {strides = array<i32>} : memref<32768xi32, #tpu.memory_space<vmem>>, vector<16xi32>,
      %add3A_337 = arith.addi %scan3A_330, %get3A_336 : vector<16xi32>
      scf.yield %add3A_337 : vector<16xi32>
    }
    %scan3A_229 = arith.constant 128 : i32
    %convert_element_type3A_230 = arith.sitofp %scan3A_228 : vector<16xi32> to vector<16xf32>
    %mul3A_231 = arith.constant 2.44140625E-4 : f32
    %mul3A_232 = vector.broadcast %mul3A_231 : f32 to vector<16xf32>
    %mul3A_233 = arith.mulf %convert_element_type3A_230, %mul3A_232 : vector<16xf32>
    %swap3A_234 = arith.constant 224 : index
    %swap3A_235 = tpu.vector_load %arg11[%swap3A_234] {strides = array<i32>} : memref<384xf32, #tpu.memory_space<vmem>>, vector<16xf32>,
    tpu.vector_store %arg11[%swap3A_234], %mul3A_233 {strides = array<i32>} : memref<384xf32, #tpu.memory_space<vmem>>, vector<16xf32>,
    %gather3A_236 = tpu.vector_load_idx %arg9[%scan3A_228] : memref<4104xf32, #tpu.memory_space<vmem>>[vector<16xi32>], vector<16xf32>,
    %add3A_237 = arith.addf %add3A_223, %gather3A_236 : vector<16xf32>
    %scan3A_238 = arith.constant 0 : i32
    %scan3A_239 = arith.constant 128 : i32
    %scan3A_240 = arith.addi %scan3A_238, %scan3A_239 : i32
    %scan3A_241 = arith.constant 1 : i32
    %scan3A_242 = scf.for %scan3A_329 = %scan3A_238 to %scan3A_240 step %scan3A_241 iter_args(%scan3A_330 = %broadcast_in_dim3A_3) -> (vector<16xi32>)  : i32 {
      %mul3A_331 = arith.constant 256 : i32
      %mul3A_332 = arith.muli %scan3A_329, %mul3A_331 : i32
      %add3A_333 = arith.constant 240 : i32
      %add3A_334 = arith.addi %mul3A_332, %add3A_333 : i32
      %get3A_335 = arith.index_cast %add3A_334 : i32 to index
      %get3A_336 = tpu.vector_load %arg6[%get3A_335] {strides = array<i32>} : memref<32768xi32, #tpu.memory_space<vmem>>, vector<16xi32>,
      %add3A_337 = arith.addi %scan3A_330, %get3A_336 : vector<16xi32>
      scf.yield %add3A_337 : vector<16xi32>
    }
    %scan3A_243 = arith.constant 128 : i32
    %convert_element_type3A_244 = arith.sitofp %scan3A_242 : vector<16xi32> to vector<16xf32>
    %mul3A_245 = arith.constant 2.44140625E-4 : f32
    %mul3A_246 = vector.broadcast %mul3A_245 : f32 to vector<16xf32>
    %mul3A_247 = arith.mulf %convert_element_type3A_244, %mul3A_246 : vector<16xf32>
    %swap3A_248 = arith.constant 240 : index
    %swap3A_249 = tpu.vector_load %arg11[%swap3A_248] {strides = array<i32>} : memref<384xf32, #tpu.memory_space<vmem>>, vector<16xf32>,
    tpu.vector_store %arg11[%swap3A_248], %mul3A_247 {strides = array<i32>} : memref<384xf32, #tpu.memory_space<vmem>>, vector<16xf32>,
    %gather3A_250 = tpu.vector_load_idx %arg9[%scan3A_242] : memref<4104xf32, #tpu.memory_space<vmem>>[vector<16xi32>], vector<16xf32>,
    %add3A_251 = arith.addf %add3A_237, %gather3A_250 : vector<16xf32>
    %reduce_sum3A = arith.constant true
    %reduce_sum3A_252 = vector.broadcast %reduce_sum3A : i1 to vector<16xi1>
    %reduce_sum3A_253 = tpu.scan <sum>, %add3A_251 masked %reduce_sum3A_252 : vector<16xf32>, vector<16xi1> -> vector<16xf32>
    %reduce_sum3A_254 = vector.extract %reduce_sum3A_253[15] : f32 from vector<16xf32>
    %get3A = arith.constant 0 : index
    %get3A_255 = tpu.vector_load %arg8[%get3A] {strides = array<i32>} : memref<64xf32, #tpu.memory_space<vmem>>, vector<16xf32>,
    %broadcast_in_dim3A_256 = arith.constant 0.000000e+00 : f32
    %broadcast_in_dim3A_257 = vector.broadcast %broadcast_in_dim3A_256 : f32 to vector<16xf32>
    %scan3A_258 = arith.constant 0 : i32
    %scan3A_259 = arith.constant 127 : i32
    %scan3A_260 = arith.addi %scan3A_258, %scan3A_259 : i32
    %scan3A_261 = arith.constant 1 : i32
    %scan3A_262 = scf.for %scan3A_329 = %scan3A_258 to %scan3A_260 step %scan3A_261 iter_args(%scan3A_330 = %broadcast_in_dim3A_257) -> (vector<16xf32>)  : i32 {
      %get3A_331 = arith.index_cast %scan3A_329 : i32 to index
      %get3A_332 = memref.load %arg10[%get3A_331] : memref<127xf32, #tpu.memory_space<smem>>
      %ge3A = vector.broadcast %get3A_332 : f32 to vector<16xf32>
      %ge3A_333 = arith.cmpf oge, %get3A_255, %ge3A : vector<16xf32>
      %convert_element_type3A_334 = arith.extui %ge3A_333 : vector<16xi1> to vector<16xi32>
      %convert_element_type3A_335 = arith.sitofp %convert_element_type3A_334 : vector<16xi32> to vector<16xf32>
      %add3A_336 = arith.addf %scan3A_330, %convert_element_type3A_335 : vector<16xf32>
      scf.yield %add3A_336 : vector<16xf32>
    }
    %scan3A_263 = arith.constant 127 : i32
    %div3A = arith.constant 1.270000e+02 : f32
    %div3A_264 = vector.broadcast %div3A : f32 to vector<16xf32>
    %div3A_265 = arith.divf %scan3A_262, %div3A_264 : vector<16xf32>
    %swap3A_266 = arith.constant 256 : index
    %swap3A_267 = tpu.vector_load %arg11[%swap3A_266] {strides = array<i32>} : memref<384xf32, #tpu.memory_space<vmem>>, vector<16xf32>,
    tpu.vector_store %arg11[%swap3A_266], %div3A_265 {strides = array<i32>} : memref<384xf32, #tpu.memory_space<vmem>>, vector<16xf32>,
    %get3A_268 = arith.constant 16 : index
    %get3A_269 = tpu.vector_load %arg8[%get3A_268] {strides = array<i32>} : memref<64xf32, #tpu.memory_space<vmem>>, vector<16xf32>,
    %broadcast_in_dim3A_270 = arith.constant 0.000000e+00 : f32
    %broadcast_in_dim3A_271 = vector.broadcast %broadcast_in_dim3A_270 : f32 to vector<16xf32>
    %scan3A_272 = arith.constant 0 : i32
    %scan3A_273 = arith.constant 127 : i32
    %scan3A_274 = arith.addi %scan3A_272, %scan3A_273 : i32
    %scan3A_275 = arith.constant 1 : i32
    %scan3A_276 = scf.for %scan3A_329 = %scan3A_272 to %scan3A_274 step %scan3A_275 iter_args(%scan3A_330 = %broadcast_in_dim3A_271) -> (vector<16xf32>)  : i32 {
      %get3A_331 = arith.index_cast %scan3A_329 : i32 to index
      %get3A_332 = memref.load %arg10[%get3A_331] : memref<127xf32, #tpu.memory_space<smem>>
      %ge3A = vector.broadcast %get3A_332 : f32 to vector<16xf32>
      %ge3A_333 = arith.cmpf oge, %get3A_269, %ge3A : vector<16xf32>
      %convert_element_type3A_334 = arith.extui %ge3A_333 : vector<16xi1> to vector<16xi32>
      %convert_element_type3A_335 = arith.sitofp %convert_element_type3A_334 : vector<16xi32> to vector<16xf32>
      %add3A_336 = arith.addf %scan3A_330, %convert_element_type3A_335 : vector<16xf32>
      scf.yield %add3A_336 : vector<16xf32>
    }
    %scan3A_277 = arith.constant 127 : i32
    %div3A_278 = arith.constant 1.270000e+02 : f32
    %div3A_279 = vector.broadcast %div3A_278 : f32 to vector<16xf32>
    %div3A_280 = arith.divf %scan3A_276, %div3A_279 : vector<16xf32>
    %swap3A_281 = arith.constant 272 : index
    %swap3A_282 = tpu.vector_load %arg11[%swap3A_281] {strides = array<i32>} : memref<384xf32, #tpu.memory_space<vmem>>, vector<16xf32>,
    tpu.vector_store %arg11[%swap3A_281], %div3A_280 {strides = array<i32>} : memref<384xf32, #tpu.memory_space<vmem>>, vector<16xf32>,
    %get3A_283 = arith.constant 32 : index
    %get3A_284 = tpu.vector_load %arg8[%get3A_283] {strides = array<i32>} : memref<64xf32, #tpu.memory_space<vmem>>, vector<16xf32>,
    %broadcast_in_dim3A_285 = arith.constant 0.000000e+00 : f32
    %broadcast_in_dim3A_286 = vector.broadcast %broadcast_in_dim3A_285 : f32 to vector<16xf32>
    %scan3A_287 = arith.constant 0 : i32
    %scan3A_288 = arith.constant 127 : i32
    %scan3A_289 = arith.addi %scan3A_287, %scan3A_288 : i32
    %scan3A_290 = arith.constant 1 : i32
    %scan3A_291 = scf.for %scan3A_329 = %scan3A_287 to %scan3A_289 step %scan3A_290 iter_args(%scan3A_330 = %broadcast_in_dim3A_286) -> (vector<16xf32>)  : i32 {
      %get3A_331 = arith.index_cast %scan3A_329 : i32 to index
      %get3A_332 = memref.load %arg10[%get3A_331] : memref<127xf32, #tpu.memory_space<smem>>
      %ge3A = vector.broadcast %get3A_332 : f32 to vector<16xf32>
      %ge3A_333 = arith.cmpf oge, %get3A_284, %ge3A : vector<16xf32>
      %convert_element_type3A_334 = arith.extui %ge3A_333 : vector<16xi1> to vector<16xi32>
      %convert_element_type3A_335 = arith.sitofp %convert_element_type3A_334 : vector<16xi32> to vector<16xf32>
      %add3A_336 = arith.addf %scan3A_330, %convert_element_type3A_335 : vector<16xf32>
      scf.yield %add3A_336 : vector<16xf32>
    }
    %scan3A_292 = arith.constant 127 : i32
    %div3A_293 = arith.constant 1.270000e+02 : f32
    %div3A_294 = vector.broadcast %div3A_293 : f32 to vector<16xf32>
    %div3A_295 = arith.divf %scan3A_291, %div3A_294 : vector<16xf32>
    %swap3A_296 = arith.constant 288 : index
    %swap3A_297 = tpu.vector_load %arg11[%swap3A_296] {strides = array<i32>} : memref<384xf32, #tpu.memory_space<vmem>>, vector<16xf32>,
    tpu.vector_store %arg11[%swap3A_296], %div3A_295 {strides = array<i32>} : memref<384xf32, #tpu.memory_space<vmem>>, vector<16xf32>,
    %get3A_298 = arith.constant 48 : index
    %get3A_299 = tpu.vector_load %arg8[%get3A_298] {strides = array<i32>} : memref<64xf32, #tpu.memory_space<vmem>>, vector<16xf32>,
    %broadcast_in_dim3A_300 = arith.constant 0.000000e+00 : f32
    %broadcast_in_dim3A_301 = vector.broadcast %broadcast_in_dim3A_300 : f32 to vector<16xf32>
    %scan3A_302 = arith.constant 0 : i32
    %scan3A_303 = arith.constant 127 : i32
    %scan3A_304 = arith.addi %scan3A_302, %scan3A_303 : i32
    %scan3A_305 = arith.constant 1 : i32
    %scan3A_306 = scf.for %scan3A_329 = %scan3A_302 to %scan3A_304 step %scan3A_305 iter_args(%scan3A_330 = %broadcast_in_dim3A_301) -> (vector<16xf32>)  : i32 {
      %get3A_331 = arith.index_cast %scan3A_329 : i32 to index
      %get3A_332 = memref.load %arg10[%get3A_331] : memref<127xf32, #tpu.memory_space<smem>>
      %ge3A = vector.broadcast %get3A_332 : f32 to vector<16xf32>
      %ge3A_333 = arith.cmpf oge, %get3A_299, %ge3A : vector<16xf32>
      %convert_element_type3A_334 = arith.extui %ge3A_333 : vector<16xi1> to vector<16xi32>
      %convert_element_type3A_335 = arith.sitofp %convert_element_type3A_334 : vector<16xi32> to vector<16xf32>
      %add3A_336 = arith.addf %scan3A_330, %convert_element_type3A_335 : vector<16xf32>
      scf.yield %add3A_336 : vector<16xf32>
    }
    %scan3A_307 = arith.constant 127 : i32
    %div3A_308 = arith.constant 1.270000e+02 : f32
    %div3A_309 = vector.broadcast %div3A_308 : f32 to vector<16xf32>
    %div3A_310 = arith.divf %scan3A_306, %div3A_309 : vector<16xf32>
    %swap3A_311 = arith.constant 304 : index
    %swap3A_312 = tpu.vector_load %arg11[%swap3A_311] {strides = array<i32>} : memref<384xf32, #tpu.memory_space<vmem>>, vector<16xf32>,
    tpu.vector_store %arg11[%swap3A_311], %div3A_310 {strides = array<i32>} : memref<384xf32, #tpu.memory_space<vmem>>, vector<16xf32>,
    %eq3A = arith.constant 0 : i32
    %eq3A_313 = vector.broadcast %eq3A : i32 to vector<16xi32>
    %eq3A_314 = arith.cmpi eq, %iota3A, %eq3A_313 : vector<16xi32>
    %jit3A = arith.constant 0.000000e+00 : f32
    %broadcast_in_dim3A_315 = vector.broadcast %reduce_sum3A_254 : f32 to vector<16xf32>
    %broadcast_in_dim3A_316 = vector.broadcast %jit3A : f32 to vector<16xf32>
    %select_n3A = arith.select %eq3A_314, %broadcast_in_dim3A_315, %broadcast_in_dim3A_316 : vector<16xi1>, vector<16xf32>
    %swap3A_317 = arith.constant 320 : index
    %swap3A_318 = tpu.vector_load %arg11[%swap3A_317] {strides = array<i32>} : memref<384xf32, #tpu.memory_space<vmem>>, vector<16xf32>,
    tpu.vector_store %arg11[%swap3A_317], %select_n3A {strides = array<i32>} : memref<384xf32, #tpu.memory_space<vmem>>, vector<16xf32>,
    %broadcast_in_dim3A_319 = arith.constant 0.000000e+00 : f32
    %broadcast_in_dim3A_320 = vector.broadcast %broadcast_in_dim3A_319 : f32 to vector<16xf32>
    %swap3A_321 = arith.constant 336 : index
    %swap3A_322 = tpu.vector_load %arg11[%swap3A_321] {strides = array<i32>} : memref<384xf32, #tpu.memory_space<vmem>>, vector<16xf32>,
    tpu.vector_store %arg11[%swap3A_321], %broadcast_in_dim3A_320 {strides = array<i32>} : memref<384xf32, #tpu.memory_space<vmem>>, vector<16xf32>,
    %swap3A_323 = arith.constant 352 : index
    %swap3A_324 = tpu.vector_load %arg11[%swap3A_323] {strides = array<i32>} : memref<384xf32, #tpu.memory_space<vmem>>, vector<16xf32>,
    tpu.vector_store %arg11[%swap3A_323], %broadcast_in_dim3A_320 {strides = array<i32>} : memref<384xf32, #tpu.memory_space<vmem>>, vector<16xf32>,
    %swap3A_325 = arith.constant 368 : index
    %swap3A_326 = tpu.vector_load %arg11[%swap3A_325] {strides = array<i32>} : memref<384xf32, #tpu.memory_space<vmem>>, vector<16xf32>,
    tpu.vector_store %arg11[%swap3A_325], %broadcast_in_dim3A_320 {strides = array<i32>} : memref<384xf32, #tpu.memory_space<vmem>>, vector<16xf32>,
    %mul3A_327 = arith.constant 384 : i32
    %mul3A_328 = arith.muli %add3A, %mul3A_327 : i32
    "tpu.region"() ({
      %run_scoped3A = tpu.sem_alloc : memref<!tpu.dma_semaphore, #tpu.memory_space<semaphore_mem>>
      %dma_start3A = tpu.memref_slice %arg4[%mul3A_328] : memref<12288xf32, #tpu.memory_space<hbm>> -> memref<384xf32, #tpu.memory_space<hbm>>
      %dma_start3A_329 = tpu.memref_slice %arg4[%mul3A_328] : memref<12288xf32, #tpu.memory_space<hbm>> -> memref<384xf32, #tpu.memory_space<hbm>>
      tpu.enqueue_dma source(%arg11 : memref<384xf32, #tpu.memory_space<vmem>>) target(%dma_start3A_329 : memref<384xf32, #tpu.memory_space<hbm>>) target_semaphore(%run_scoped3A : memref<!tpu.dma_semaphore, #tpu.memory_space<semaphore_mem>>)
      %dma_wait3A = tpu.memref_slice %arg4[%mul3A_328] : memref<12288xf32, #tpu.memory_space<hbm>> -> memref<384xf32, #tpu.memory_space<hbm>>
      %dma_wait3A_330 = tpu.memref_slice %arg4[%mul3A_328] : memref<12288xf32, #tpu.memory_space<hbm>> -> memref<384xf32, #tpu.memory_space<hbm>>
      tpu.wait_dma2 semaphore(%run_scoped3A : memref<!tpu.dma_semaphore, #tpu.memory_space<semaphore_mem>>) src(%arg11 : memref<384xf32, #tpu.memory_space<vmem>>) dst(%dma_wait3A_330 : memref<384xf32, #tpu.memory_space<hbm>>)
      tpu.yield
    }) : () -> ()
    return
  }
}

module attributes {stable_mosaic.version = 14 : i64} {
  func.func @_mlp_body(%arg0: memref<32x384xf32, #tpu.memory_space<vmem>>, %arg1: memref<384x512xf32, #tpu.memory_space<vmem>>, %arg2: memref<1x512xf32, #tpu.memory_space<vmem>>, %arg3: memref<1x512xf32, #tpu.memory_space<vmem>>, %arg4: memref<1x512xf32, #tpu.memory_space<vmem>>, %arg5: memref<512x512xf32, #tpu.memory_space<vmem>>, %arg6: memref<1x512xf32, #tpu.memory_space<vmem>>, %arg7: memref<1x512xf32, #tpu.memory_space<vmem>>, %arg8: memref<1x512xf32, #tpu.memory_space<vmem>>, %arg9: memref<512x256xf32, #tpu.memory_space<vmem>>, %arg10: memref<1x256xf32, #tpu.memory_space<vmem>>, %arg11: memref<32x256xf32, #tpu.memory_space<vmem>>) attributes {dimension_semantics = [], scalar_prefetch = 0 : i64, scratch_operands = 0 : i64, tpu.core_type = #tpu.core_type<tc>} {
    %get3A = arith.constant 0 : index
    %get3A_0 = arith.constant 0 : index
    %get3A_1 = vector.load %arg0[%get3A, %get3A_0] : memref<32x384xf32, #tpu.memory_space<vmem>>, vector<32x384xf32>
    %get3A_2 = arith.constant 0 : index
    %get3A_3 = arith.constant 0 : index
    %get3A_4 = vector.load %arg1[%get3A_2, %get3A_3] : memref<384x512xf32, #tpu.memory_space<vmem>>, vector<384x512xf32>
    %dot_general3A = arith.constant dense<0.000000e+00> : vector<32x512xf32>
    %dot_general3A_5 = tpu.matmul %get3A_1, %get3A_4, %dot_general3A {dimension_numbers = #tpu.dot_dimension_numbers<[1], [0], [0], [1], [0, 0, 1, 1], [], []>, precision = #tpu.contract_precision<fp32>, transpose_lhs_hint = false} : vector<32x384xf32>, vector<384x512xf32>, vector<32x512xf32> -> vector<32x512xf32>
    %get3A_6 = arith.constant 0 : index
    %get3A_7 = arith.constant 0 : index
    %get3A_8 = vector.load %arg2[%get3A_6, %get3A_7] : memref<1x512xf32, #tpu.memory_space<vmem>>, vector<1x512xf32>
    %add3A = vector.broadcast %get3A_8 : vector<1x512xf32> to vector<32x512xf32>
    %add3A_9 = arith.addf %dot_general3A_5, %add3A : vector<32x512xf32>
    %get3A_10 = arith.constant 0 : index
    %get3A_11 = arith.constant 0 : index
    %get3A_12 = vector.load %arg3[%get3A_10, %get3A_11] : memref<1x512xf32, #tpu.memory_space<vmem>>, vector<1x512xf32>
    %get3A_13 = arith.constant 0 : index
    %get3A_14 = arith.constant 0 : index
    %get3A_15 = vector.load %arg4[%get3A_13, %get3A_14] : memref<1x512xf32, #tpu.memory_space<vmem>>, vector<1x512xf32>
    %reduce_sum3A = arith.constant dense<0.000000e+00> : vector<32xf32>
    %reduce_sum3A_16 = vector.multi_reduction <add>, %add3A_9, %reduce_sum3A [1] : vector<32x512xf32> to vector<32xf32>
    %broadcast_in_dim3A = vector.shape_cast %reduce_sum3A_16 : vector<32xf32> to vector<32x1xf32>
    %div3A = arith.constant 5.120000e+02 : f32
    %div3A_17 = vector.broadcast %div3A : f32 to vector<32x1xf32>
    %div3A_18 = arith.divf %broadcast_in_dim3A, %div3A_17 : vector<32x1xf32>
    %sub3A = vector.broadcast %div3A_18 : vector<32x1xf32> to vector<32x512xf32>
    %sub3A_19 = arith.subf %add3A_9, %sub3A : vector<32x512xf32>
    %mul3A = arith.mulf %sub3A_19, %sub3A_19 : vector<32x512xf32>
    %reduce_sum3A_20 = arith.constant dense<0.000000e+00> : vector<32xf32>
    %reduce_sum3A_21 = vector.multi_reduction <add>, %mul3A, %reduce_sum3A_20 [1] : vector<32x512xf32> to vector<32xf32>
    %broadcast_in_dim3A_22 = vector.shape_cast %reduce_sum3A_21 : vector<32xf32> to vector<32x1xf32>
    %div3A_23 = arith.constant 5.120000e+02 : f32
    %div3A_24 = vector.broadcast %div3A_23 : f32 to vector<32x1xf32>
    %div3A_25 = arith.divf %broadcast_in_dim3A_22, %div3A_24 : vector<32x1xf32>
    %add3A_26 = arith.constant 9.99999974E-6 : f32
    %add3A_27 = vector.broadcast %add3A_26 : f32 to vector<32x1xf32>
    %add3A_28 = arith.addf %div3A_25, %add3A_27 : vector<32x1xf32>
    %sqrt3A = math.sqrt %add3A_28 : vector<32x1xf32>
    %div3A_29 = vector.broadcast %sqrt3A : vector<32x1xf32> to vector<32x512xf32>
    %div3A_30 = arith.divf %sub3A_19, %div3A_29 : vector<32x512xf32>
    %mul3A_31 = vector.broadcast %get3A_12 : vector<1x512xf32> to vector<32x512xf32>
    %mul3A_32 = arith.mulf %div3A_30, %mul3A_31 : vector<32x512xf32>
    %add3A_33 = vector.broadcast %get3A_15 : vector<1x512xf32> to vector<32x512xf32>
    %add3A_34 = arith.addf %mul3A_32, %add3A_33 : vector<32x512xf32>
    %max3A = arith.constant 0.000000e+00 : f32
    %max3A_35 = vector.broadcast %max3A : f32 to vector<32x512xf32>
    %max3A_36 = arith.maximumf %add3A_34, %max3A_35 : vector<32x512xf32>
    %get3A_37 = arith.constant 0 : index
    %get3A_38 = arith.constant 0 : index
    %get3A_39 = vector.load %arg5[%get3A_37, %get3A_38] : memref<512x512xf32, #tpu.memory_space<vmem>>, vector<512x512xf32>
    %dot_general3A_40 = arith.constant dense<0.000000e+00> : vector<32x512xf32>
    %dot_general3A_41 = tpu.matmul %max3A_36, %get3A_39, %dot_general3A_40 {dimension_numbers = #tpu.dot_dimension_numbers<[1], [0], [0], [1], [0, 0, 1, 1], [], []>, precision = #tpu.contract_precision<fp32>, transpose_lhs_hint = false} : vector<32x512xf32>, vector<512x512xf32>, vector<32x512xf32> -> vector<32x512xf32>
    %get3A_42 = arith.constant 0 : index
    %get3A_43 = arith.constant 0 : index
    %get3A_44 = vector.load %arg6[%get3A_42, %get3A_43] : memref<1x512xf32, #tpu.memory_space<vmem>>, vector<1x512xf32>
    %add3A_45 = vector.broadcast %get3A_44 : vector<1x512xf32> to vector<32x512xf32>
    %add3A_46 = arith.addf %dot_general3A_41, %add3A_45 : vector<32x512xf32>
    %get3A_47 = arith.constant 0 : index
    %get3A_48 = arith.constant 0 : index
    %get3A_49 = vector.load %arg7[%get3A_47, %get3A_48] : memref<1x512xf32, #tpu.memory_space<vmem>>, vector<1x512xf32>
    %get3A_50 = arith.constant 0 : index
    %get3A_51 = arith.constant 0 : index
    %get3A_52 = vector.load %arg8[%get3A_50, %get3A_51] : memref<1x512xf32, #tpu.memory_space<vmem>>, vector<1x512xf32>
    %reduce_sum3A_53 = arith.constant dense<0.000000e+00> : vector<32xf32>
    %reduce_sum3A_54 = vector.multi_reduction <add>, %add3A_46, %reduce_sum3A_53 [1] : vector<32x512xf32> to vector<32xf32>
    %broadcast_in_dim3A_55 = vector.shape_cast %reduce_sum3A_54 : vector<32xf32> to vector<32x1xf32>
    %div3A_56 = arith.constant 5.120000e+02 : f32
    %div3A_57 = vector.broadcast %div3A_56 : f32 to vector<32x1xf32>
    %div3A_58 = arith.divf %broadcast_in_dim3A_55, %div3A_57 : vector<32x1xf32>
    %sub3A_59 = vector.broadcast %div3A_58 : vector<32x1xf32> to vector<32x512xf32>
    %sub3A_60 = arith.subf %add3A_46, %sub3A_59 : vector<32x512xf32>
    %mul3A_61 = arith.mulf %sub3A_60, %sub3A_60 : vector<32x512xf32>
    %reduce_sum3A_62 = arith.constant dense<0.000000e+00> : vector<32xf32>
    %reduce_sum3A_63 = vector.multi_reduction <add>, %mul3A_61, %reduce_sum3A_62 [1] : vector<32x512xf32> to vector<32xf32>
    %broadcast_in_dim3A_64 = vector.shape_cast %reduce_sum3A_63 : vector<32xf32> to vector<32x1xf32>
    %div3A_65 = arith.constant 5.120000e+02 : f32
    %div3A_66 = vector.broadcast %div3A_65 : f32 to vector<32x1xf32>
    %div3A_67 = arith.divf %broadcast_in_dim3A_64, %div3A_66 : vector<32x1xf32>
    %add3A_68 = arith.constant 9.99999974E-6 : f32
    %add3A_69 = vector.broadcast %add3A_68 : f32 to vector<32x1xf32>
    %add3A_70 = arith.addf %div3A_67, %add3A_69 : vector<32x1xf32>
    %sqrt3A_71 = math.sqrt %add3A_70 : vector<32x1xf32>
    %div3A_72 = vector.broadcast %sqrt3A_71 : vector<32x1xf32> to vector<32x512xf32>
    %div3A_73 = arith.divf %sub3A_60, %div3A_72 : vector<32x512xf32>
    %mul3A_74 = vector.broadcast %get3A_49 : vector<1x512xf32> to vector<32x512xf32>
    %mul3A_75 = arith.mulf %div3A_73, %mul3A_74 : vector<32x512xf32>
    %add3A_76 = vector.broadcast %get3A_52 : vector<1x512xf32> to vector<32x512xf32>
    %add3A_77 = arith.addf %mul3A_75, %add3A_76 : vector<32x512xf32>
    %max3A_78 = arith.constant 0.000000e+00 : f32
    %max3A_79 = vector.broadcast %max3A_78 : f32 to vector<32x512xf32>
    %max3A_80 = arith.maximumf %add3A_77, %max3A_79 : vector<32x512xf32>
    %get3A_81 = arith.constant 0 : index
    %get3A_82 = arith.constant 0 : index
    %get3A_83 = vector.load %arg9[%get3A_81, %get3A_82] : memref<512x256xf32, #tpu.memory_space<vmem>>, vector<512x256xf32>
    %dot_general3A_84 = arith.constant dense<0.000000e+00> : vector<32x256xf32>
    %dot_general3A_85 = tpu.matmul %max3A_80, %get3A_83, %dot_general3A_84 {dimension_numbers = #tpu.dot_dimension_numbers<[1], [0], [0], [1], [0, 0, 1, 1], [], []>, precision = #tpu.contract_precision<fp32>, transpose_lhs_hint = false} : vector<32x512xf32>, vector<512x256xf32>, vector<32x256xf32> -> vector<32x256xf32>
    %get3A_86 = arith.constant 0 : index
    %get3A_87 = arith.constant 0 : index
    %get3A_88 = vector.load %arg10[%get3A_86, %get3A_87] : memref<1x256xf32, #tpu.memory_space<vmem>>, vector<1x256xf32>
    %add3A_89 = vector.broadcast %get3A_88 : vector<1x256xf32> to vector<32x256xf32>
    %add3A_90 = arith.addf %dot_general3A_85, %add3A_89 : vector<32x256xf32>
    %swap3A = arith.constant 0 : index
    %swap3A_91 = arith.constant 0 : index
    %swap3A_92 = vector.load %arg11[%swap3A, %swap3A_91] : memref<32x256xf32, #tpu.memory_space<vmem>>, vector<32x256xf32>
    tpu.vector_store %arg11[%swap3A, %swap3A_91], %add3A_90 {strides = array<i32>} : memref<32x256xf32, #tpu.memory_space<vmem>>, vector<32x256xf32>,
    return
  }
}

</mosaic_0001>

<sc_bundles>
// kernel: kernel.4.cloned.1.call-start
scs
__scs_entry_jumppad:
0x0: {  	(pc) =	sbr.rel $0x88, $3  }
0x1: {  	(tag) =	ssettag $0x0;
	lr =	simm.s32 $0x1  }
0x2: {  	[smem:$0x3F96] =	sst lr;
	_ =	strace $0xD0000000  }
0x3: {  	_ = 	snop  }
0x4: {  	_ = 	snop  }
0x5: {  	_ = 	snop  }
0x6: {  	_ = 	snop  }
0x7: {  	_ = 	snop  }
__scs_overlays_trampoline_lowered:
0x8: {  	[smem:$0x3FA5] =	sst s0  }
0x9: {  	[smem:$0x3FA6] =	sst s1  }
0xa: {  	[smem:$0x3FA7] =	sst s2  }
0xb: {  	[smem:$0x3FA8] =	sst s3  }
0xc: {  	[smem:$0x3FA9] =	sst s4  }
0xd: {  	[smem:$0x3FAA] =	sst s5  }
0xe: {  	[smem:$0x3FAB] =	sst s6  }
0xf: {  	[smem:$0x3FAC] =	sst s7  }
0x10: {  	[smem:$0x3FAD] =	sst s8  }
0x11: {  	[smem:$0x3FAE] =	sst s9;
	s0 =	simm.s32 @!p0 $0x0  }
0x12: {  	s1 =	sld [smem:$0x3F94];
	s0 =	simm.s32 @p0 $0x1  }
0x13: {  	[smem:$0x3FAF] =	sst s0;
	s0 =	simm.s32 @!p1 $0x0  }
0x14: {  	s2 =	sld [smem:$0x3F93];
	s0 =	simm.s32 @p1 $0x1  }
0x15: {  	[smem:$0x3FB0] =	sst s0;
	s0 =	simm.s32 @!p2 $0x0  }
0x16: {  	s3 =	sld [smem:$0x3FDB];
	s0 =	simm.s32 @p2 $0x1  }
0x17: {  	s4 =	simm.s32 $0x1BF5;
	[smem:$0x3FB2] =	sst s0  }
0x18: {  	s0 =	sld [smem:$0x3F95];
	_ =	swait.ge [sflag:s4], $0x0  }
0x19: {  	s7 =	sld [smem:$0x3F96]  }
0x1a: {  	s8 =	sadd.s32 $0xFFFFE003, lr  }
0x1b: {  	s9 =	sadd.s32 $0xFFFFFEF7, lr;
	s5 =	simm.s32 $0xFFFFFFFF;
	p2 =	slt.u32 s8, $0xFFFFF086  }
0x1c: {  	p1 =	slt.u32 s9, $0xF7A;
	s5 =	simm.s32 @!p2 $0x0  }
0x1d: {  	s5 =	simm.s32 @p1 $0x1;
	p0 =	seq.s32 s7, s2  }
0x1e: {  	s7 =	smul.u32 @!p0 $0xF7A, s2;
	p2 =	seq.s32 @!p0 s5, $0x0  }
0x1f: {  	s9 =	smul.u32 $0xF7A, s1;
	s8 =	simm.s32 @!p0 $0x1BF5;
	p2 =	por !p2, p0  }
0x20: {  	[sflag:s8] =	ssyncset.s32 @!p0 $0xFFFFF086;
	s6 =	sadd.s32 @!p0 s3, s7;
	s7 =	simm.s32 @!p0 $0x108  }
0x21: {  	s3 =	sadd.s32 s3, s9;
	s6 =	sadd.s32 @!p0 $0x88, s6;
	s7 =	simm.s32 @p2 $0x1082  }
0x22: {  	[simem:s7], [sflag:s8] =	dma.local @!p0 [hbm:s6], $0xF7A  }
0x23: {  	s9 =	sor.u32 $0xD0000000, s2;
	s6 =	simm.s32 $0x108;
	_ =	swait.ge @!p0 [sflag:s8], $0x0  }
0x24: {  	s3 =	sadd.s32 $0x88, s3;
	s6 =	simm.s32 @!p1 $0x1082;
	[sflag:s4] =	ssyncset.s32 $0xFFFFF086  }
0x25: {  	[simem:s6], [sflag:s4] =	dma.local [hbm:s3], $0xF7A  }
0x26: {  	[smem:$0x3F96] =	sst s1;
	(tag) =	ssettag s2;
	_ =	strace s9  }
0x27: {  	s1 =	sld [smem:$0x3FA6]  }
0x28: {  	s2 =	sld [smem:$0x3FA7]  }
0x29: {  	s4 =	sld [smem:$0x3FA9]  }
0x2a: {  	p0 =	seq.s32 s5, $0x0;
	s5 =	sld [smem:$0x3FAA]  }
0x2b: {  	s6 =	sld [smem:$0x3FAB]  }
0x2c: {  	s7 =	sld [smem:$0x3FAC]  }
0x2d: {  	s3 =	simm.s32 $0x108;
	s8 =	sld [smem:$0x3FAD]  }
0x2e: {  	s3 =	simm.s32 @!p0 $0x1082;
	s9 =	sld [smem:$0x3FAE]  }
0x2f: {  	lr =	sadd.s32 s0, s3;
	s0 =	sld [smem:$0x3FA5]  }
0x30: {  	s3 =	sld [smem:$0x3FA8]  }
0x31: {  	[smem:$0x3FB1] =	sst s10  }
0x32: {  	s10 =	sld [smem:$0x3FAF];
	_ =	sdelay $0x3  }
0x33: {  	p0 =	seq.s32 s10, $0x1;
	s10 =	sld [smem:$0x3FB1];
	_ =	sdelay $0x3  }
0x34: {  	[smem:$0x3FB1] =	sst s10  }
0x35: {  	s10 =	sld [smem:$0x3FB0];
	_ =	sdelay $0x3  }
0x36: {  	p1 =	seq.s32 s10, $0x1;
	s10 =	sld [smem:$0x3FB1];
	_ =	sdelay $0x3  }
0x37: {  	[smem:$0x3FB1] =	sst s10  }
0x38: {  	s10 =	sld [smem:$0x3FB2]  }
0x39: {  	_ = 	snop;
	(pc) =	sbr.ind lr, $3  }
0x3a: {  	_ = 	snop  }
0x3b: {  	_ = 	snop  }
0x3c: {  	p2 =	seq.s32 s10, $0x1;
	s10 =	sld [smem:$0x3FB1]  }
0x3d: {  	_ =	shalt  }
0x3e: {  	_ =	shalt  }
0x3f: {  	_ =	shalt  }
0x40: {  	_ =	shalt  }
0x41: {  	_ =	shalt  }
0x42: {  	_ =	shalt  }
0x43: {  	_ =	shalt  }
0x44: {  	_ =	shalt  }
0x45: {  	_ =	shalt  }
0x46: {  	_ =	shalt  }
0x47: {  	_ =	shalt  }
0x48: {  	_ =	shalt  }
0x49: {  	_ =	shalt  }
0x4a: {  	_ =	shalt  }
0x4b: {  	_ =	shalt  }
0x4c: {  	_ =	shalt  }
0x4d: {  	_ =	shalt  }
0x4e: {  	_ =	shalt  }
0x4f: {  	_ =	shalt  }
0x50: {  	_ =	shalt  }
0x51: {  	_ =	shalt  }
0x52: {  	_ =	shalt  }
0x53: {  	_ =	shalt  }
0x54: {  	_ =	shalt  }
0x55: {  	_ =	shalt  }
0x56: {  	_ =	shalt  }
0x57: {  	_ =	shalt  }
0x58: {  	_ =	shalt  }
0x59: {  	_ =	shalt  }
0x5a: {  	_ =	shalt  }
0x5b: {  	_ =	shalt  }
0x5c: {  	_ =	shalt  }
0x5d: {  	_ =	shalt  }
0x5e: {  	_ =	shalt  }
0x5f: {  	_ =	shalt  }
0x60: {  	_ =	shalt  }
0x61: {  	_ =	shalt  }
0x62: {  	_ =	shalt  }
0x63: {  	_ =	shalt  }
0x64: {  	_ =	shalt  }
0x65: {  	_ =	shalt  }
0x66: {  	_ =	shalt  }
0x67: {  	_ =	shalt  }
0x68: {  	_ =	shalt  }
0x69: {  	_ =	shalt  }
0x6a: {  	_ =	shalt  }
0x6b: {  	_ =	shalt  }
0x6c: {  	_ =	shalt  }
0x6d: {  	_ =	shalt  }
0x6e: {  	_ =	shalt  }
0x6f: {  	_ =	shalt  }
0x70: {  	_ =	shalt  }
0x71: {  	_ =	shalt  }
0x72: {  	_ =	shalt  }
0x73: {  	_ =	shalt  }
0x74: {  	_ =	shalt  }
0x75: {  	_ =	shalt  }
0x76: {  	_ =	shalt  }
0x77: {  	_ =	shalt  }
0x78: {  	_ =	shalt  }
0x79: {  	_ =	shalt  }
0x7a: {  	_ =	shalt  }
0x7b: {  	_ =	shalt  }
0x7c: {  	_ =	shalt  }
0x7d: {  	_ =	shalt  }
0x7e: {  	_ =	shalt  }
0x7f: {  	_ =	shalt  }
0x80: {  	_ =	shalt  }
0x81: {  	_ =	shalt  }
0x82: {  	_ =	shalt  }
0x83: {  	_ =	shalt  }
0x84: {  	_ =	shalt  }
0x85: {  	_ =	shalt  }
0x86: {  	_ =	shalt  }
0x87: {  	_ =	shalt  }
.Lfunc_end0:
.L_simem_size_0:
called_computation_lowered:
.L_overlay_start_0:
0x88: {  	s2 =	sld [smem:$0x3FD9]  }
0x89: {  	s3 =	sld [smem:$0x3FFE];
	_ =	sdelay $0x1  }
0x8a: {  	s1 =	srdreg.scid  }
0x8b: {  	s0 =	sand.u32 $0x1, s1  }
0x8c: {  	s17 =	sshll.u32 s0, $0xA;
	s2 =	sadd.s32 s3, s2  }
0x8d: {  	s2 =	sadd.s32 s2, s17  }
0x8e: {  	[smem:$0x3FBD] =	sst s2  }
0x8f: {  	_ = 	snop  }
0x90: {  	s2 =	sld [smem:$0x3FD0];
	(tm) =	ssettm $0x1  }
0x91: {  	s18 =	sld [smem:$0x3FFB];
	_ =	sdelay $0x3  }
0x92: {  	_ =	strace s18  }
0x93: {  	s3 =	sld [smem:$0x3FFC];
	_ =	sdelay $0x3  }
0x94: {  	_ =	strace s3  }
0x95: {  	s3 =	sld [smem:$0x3FFD];
	_ =	sdelay $0x3  }
0x96: {  	_ =	strace s3  }
0x97: {  	_ =	strace $0x8FFFFFFF  }
0x98: {  	s19 =	sld [smem:$0x3FDB];
	_ =	sdelay $0x1  }
0x99: {  	s4 =	simm.s32 $_scs_section_size  }
0x9a: {  	s5 =	simm.s32 $_size__tile_overlayer_lowered;
	s6 =	simm.s32 $_tile_overlayer_lowered  }
0x9b: {  	s22 =	simm.s32 $0x1BFF;
	s21 =	sshll.u32 s6, $0x1;
	s3 =	sadd.s32 s4, s19  }
0x9c: {  	s7 =	simm.s32 $0x0;
	s20 =	sshll.u32 s5, $0x1;
	s5 =	sadd.s32 s21, s3  }
0x9d: {  	[timem:s7], [sflag:s22] =	dma.local [hbm:s5], s20  }
0x9e: {  	_ =	swait.ge [sflag:s22], s20  }
0x9f: {  	s4 =	ssub.s32 $0x0, s20;
	[sflag:s22] =	ssyncset.done $0x0  }
0xa0: {  	[sflag:s22] =	ssyncadd.s32 s4;
	_ =	sdelay $0x1  }
0xa1: {  	s23 =	simm.s32 $0x1B8B  }
0xa2: {  	_ =	swait.ge [sflag:s23], $0x1  }
0xa3: {  	[sflag:s23] =	ssyncset.done $0x0  }
0xa4: {  	s25 =	simm.s32 $0x1B8E;
	s24 =	sld [smem:$0x3FFE];
	[sflag:s23] =	ssyncadd.s32 $0xFFFFFFFF  }
0xa5: {  	s26 =	simm.s32 $execute0_lowered;
	[smem:$0x3FD2] =	sst s25  }
0xa6: {  	s5 =	sshll.u32 s26, $0x1;
	_ =	strace $0x80000046;
	[dreg:$0x1] =	wrdreg $0xFFFFFFFF  }
0xa7: {  	s28 =	simm.s32 $_size_execute0_lowered;
	s3 =	sadd.s32 s3, s5;
	[dreg:$0x0] =	wrdreg $0x0  }
0xa8: {  	s5 =	sshll.u32 s28, $0x1;
	[dreg:$0x2] =	wrdreg s3  }
0xa9: {  	[dreg:$0x3] =	wrdreg s5  }
0xaa: {  	[dreg:$0x4] =	wrdreg $0xC0  }
0xab: {  	_ =	task [dreg:s7], $0x5FFFF  }
0xac: {  	[dreg:$0x1] =	wrdreg $0xFFFFFFFF  }
0xad: {  	[dreg:$0x0] =	wrdreg $0x60  }
0xae: {  	[dreg:$0x2] =	wrdreg s24  }
0xaf: {  	[dreg:$0x3] =	wrdreg s2  }
0xb0: {  	[dreg:$0x4] =	wrdreg $0x9  }
0xb1: {  	_ =	task.clear_ibuf [dreg:s7], $0x5FFFF;
	_ =	strace $0x90000046  }
0xb2: {  	s29 =	simm.s32 $0x9;
	_ =	strace $0x80000048  }
0xb3: {  	_ =	swait.ge [sflag:s29], $0x1  }
0xb4: {  	[sflag:s29] =	ssyncadd.s32 $0xFFFFFFFF  }
0xb5: {  	_ =	strace $0x90000048  }
0xb6: {  	_ =	sfence  }
0xb7: {  	s30 =	sld [smem:$0x0];
	_ =	sdelay $0x2  }
0xb8: {  	s31 =	sshll.u32 s1, $0xD;
	s1 =	sshrl.u32 s1, $0x2  }
0xb9: {  	s3 =	sand.u32 $0x4000, s31;
	s1 =	sadd.s32 s1, s30  }
0xba: {  	s0 =	sor.u32 s3, s0;
	s1 =	sshll.u32 s1, $0x11  }
0xbb: {  	s0 =	sor.u32 s1, s0  }
0xbc: {  	s0 =	sadd.s32 $0x8F2B, s0  }
0xbd: {  	[sflag:s0] =	ssyncadd.remote.s32 $0x1  }
0xbe: {  	_ =	sfence.sel $0xFFFF  }
0xbf: {  	[dreg:$0x0] =	wrdreg $0xFFFFFFFF;
	(pc) =	sbr.abs _section_cstart, $3  }
0xc0: {  	[dreg:$0x1] =	wrdreg $0xFFFFFFFF  }
0xc1: {  	_ =	task.clear_ibuf [dreg:s7], $0x2FFFF;
	_ =	strace $0x9FFFFFFF  }
0xc2: {  	(tm) =	ssettm $0x7FFFFFFF  }
0xc3: {  	_ =	shalt  }
tec
execute0_lowered:
.L_overlay_start_1:
0x0: {  	(tag) =	ssettag $0x1  }
0x1: {  	s4 =	rddreg [dreg:$0x0]  }
0x2: {  	s1 =	rddreg [dreg:$0x1];
	s2 =	simm.s32 $0x0  }
0x3: {  	[smem:$0x7FF] =	sst s2  }
0x4: {  	s0 =	rddreg [dreg:$0x2];
	v0 =	vimm.f32 $1.270000000e+02;
	_ =	strace $0x80000047  }
0x5: {  	(erf) = vrcp.f32 v0;
	_ =	sdelay $0x1  }
0x6: {  	s5 =	srdreg.scid;
	s3 =	stileid.u32;
	s9 =	simm.s32 $0x1  }
0x7: {  	s10 =	simm.s32 $0x9000;
	s11 =	simm.s32 $0x9080;
	s12 =	simm.s32 $0x9100  }
0x8: {  	s13 =	simm.s32 $0x1000;
	s5 =	sand.u32 $0x1, s5;
	s6 =	sshll.u32 s3, $0x1  }
0x9: {  	s14 =	simm.s32 $0xA180;
	s6 =	sor.u32 s5, s6;
	s5 =	ssub.s32 $0x2, s5  }
0xa: {  	s7 =	smul.u32 $0x30, s6;
	s6 =	sshll.u32 s6, $0x9;
	s8 =	sshrl.u32 s5, $0x1  }
0xb: {  	v2 =	vlaneseq.u32;
	s15 =	simm.s32 $0x0;
	s6 =	sadd.s32 s6, s4;
	s8 =	ssub.s32 s5, s8  }
0xc: {  	v4 =	vimm.s32 $0x1;
	vm0 =	vmmov $0x1;
	v5 =	vimm.f32 $0.0e+00;
	s5 =	sadd.s32 $0x9, s1;
	s7 =	sadd.s32 s7, s4;
	s4 =	sadd.s32 $0x2000, s6  }
0xd: {  	v1 =	vmul.u32 $0x20, v2;
	v2 =	vmul.u32 $0x100, v2;
	v0 =	vimm.s32 $0x0;
	s6 =	sadd.s32 $0x11, s1;
	s8 =	smax.u32 s8, $0x1;
	s7 =	sadd.s32 $0x6000, s7;
	v3 =	vpop (erf)  }
.LBB2_1:
0xe: {  	[tilespmem:s2], [sflag:$0x1] =	stream.linear.gather [hbm4b:s4+s2], $0x1000, $0x38;
	[tilespmem:$0xA300] =	vst v63  }
0xf: {  	_ =	swait.ge [sflag:s9], $0x1000  }
0x10: {  	[sflag:s9] =	ssyncset.done $0x0  }
0x11: {  	[sflag:s9] =	ssyncadd.s32 $0xFFFFF000  }
0x12: {  	[tilespmem:s10], [sflag:$0x1] =	stream.linear.gather [hbm4b:s1+s2], $0x48, $0x38;
	[tilespmem:$0xA300] =	vst v63  }
0x13: {  	_ =	swait.ge [sflag:s9], $0x48  }
0x14: {  	[sflag:s9] =	ssyncset.done $0x0  }
0x15: {  	[sflag:s9] =	ssyncadd.s32 $0xFFFFFFB8  }
0x16: {  	[tilespmem:s11], [sflag:$0x1] =	stream.linear.gather [hbm4b:s5+s2], $0x40, $0x38;
	[tilespmem:$0xA300] =	vst v63  }
0x17: {  	_ =	swait.ge [sflag:s9], $0x40  }
0x18: {  	[sflag:s9] =	ssyncset.done $0x0  }
0x19: {  	[sflag:s9] =	ssyncadd.s32 $0xFFFFFFC0  }
0x1a: {  	[tilespmem:s12], [sflag:$0x1] =	stream.linear.gather [hbm4b:s6+s2], $0x1008, $0x38;
	[tilespmem:$0xA300] =	vst v63  }
0x1b: {  	_ =	swait.ge [sflag:s9], $0x1008  }
0x1c: {  	[sflag:s9] =	ssyncset.done $0x0  }
0x1d: {  	s16 =	simm.s32 $0x40;
	s17 =	simm.s32 $0x0;
	[sflag:s9] =	ssyncadd.s32 $0xFFFFEFF8  }
.LBB2_2:
0x1e: {  	p0 =	sne.s32 s16, $0x1FFC0;
	[tilespmem:s17+$0x1000] =	vst v0;
	s17 =	smov.u32 s16;
	s16 =	sadd.s32 $0x40, s16  }
.Ltmp0:
0x1f: {  	(pc) =	sbr.rel @p0 .LBB2_2-.Ltmp0, $2  }
0x20: {  	_ =	sdelay $0x2  }
0x21: {  	s17 =	sshra.s32 s17, $0x2  }
0x22: {  	s16 =	simm.s32 $0x0  }
0x23: {  	s19 =	simm.s32 $0x0;
	s18 =	sand.u32 $0x1F, s16  }
0x24: {  	s18 =	sor.u32 s18, s19  }
0x25: {  	v6 =	vor.u32 s18, v1;
	_ =	sdelay $0x3  }
0x26: {  	[tilespmem:s17+$0x1000] =	vst v0  }
0x27: {  	v6 =	vld.idx.msk [tilespmem:v6+s16+$0x0], $0xffff;
	_ =	sdelay $0x4  }
0x28: {  	vm1 =	vgt.s32 v6, $0x0  }
0x29: {  	s17 =	simm.s32 $0x0;
	v6 =	vnsel vm1, $0x0, v6  }
0x2a: {  	s20 =	simm.s32 $0x0;
	s19 =	simm.s32 $0x1;
	s18 =	simm.s32 $0x2;
	v6 =	vmin.u32 v6, $0xFF  }
.LBB2_4:
0x2b: {  	p0 =	sne.s32 s18, $0xFF;
	s19 =	sand.u32 $0x1F, s19;
	s21 =	sshll.u32 s17, $0x9;
	v6 =	vor.u32 s20, v6  }
0x2c: {  	s20 =	sor.u32 s19, s21;
	v6 =	vor.u32 v2, v6;
	s19 =	smov.u32 s18  }
0x2d: {  	v7 =	vor.u32 s20, v1;
	_ =	sdelay $0x3  }
0x2e: {  	[tilespmem:v6+s13+$0x0] =	vst.idx.add.s32.msk $0xffff, v4  }
0x2f: {  	v6 =	vld.idx.msk [tilespmem:v7+s16+$0x0], $0xffff;
	_ =	sdelay $0x3  }
.Ltmp1:
0x30: {  	(pc) =	sbr.rel @p0 .LBB2_4-.Ltmp1, $4  }
0x31: {  	_ = 	snop  }
0x32: {  	vm1 =	vgt.s32 v6, $0x0  }
0x33: {  	v6 =	vnsel vm1, $0x0, v6  }
0x34: {  	s18 =	sadd.s32 $0x1, s18;
	s20 =	sshll.u32 s17, $0xC;
	s17 =	sshrl.u32 s19, $0x5;
	v6 =	vmin.u32 v6, $0xFF  }
0x35: {  	s18 =	sand.u32 $0x1F, s19;
	s31 =	sshll.u32 s17, $0x9;
	v6 =	vor.u32 s20, v6  }
0x36: {  	s18 =	sor.u32 s18, s31;
	v6 =	vor.u32 v2, v6  }
0x37: {  	v7 =	vor.u32 s18, v1;
	_ =	sdelay $0x3  }
0x38: {  	[tilespmem:v6+s13+$0x0] =	vst.idx.add.s32.msk $0xffff, v4  }
0x39: {  	v6 =	vld.idx.msk [tilespmem:v7+s16+$0x0], $0xffff;
	_ =	sdelay $0x4  }
0x3a: {  	vm1 =	vgt.s32 v6, $0x0  }
0x3b: {  	v6 =	vnsel vm1, $0x0, v6  }
0x3c: {  	s18 =	sshll.u32 s17, $0xC;
	v6 =	vmin.u32 v6, $0xFF  }
0x3d: {  	v6 =	vor.u32 s18, v6  }
0x3e: {  	v6 =	vor.u32 v2, v6;
	_ =	sdelay $0x4  }
0x3f: {  	s19 =	simm.s32 $0x20;
	[tilespmem:v6+s13+$0x0] =	vst.idx.add.s32.msk $0xffff, v4  }
0x40: {  	v6 =	vld [tilespmem:s19+$0xFFFFFFF0];
	_ =	sdelay $0x1  }
0x41: {  	v7 =	vld [tilespmem:s19+$0xFFFFFFE0];
	_ =	sdelay $0x2  }
0x42: {  	v8 =	vld [tilespmem:s19+$0x0];
	vm1 =	vgt.s32 v6, $0x0  }
0x43: {  	v6 =	vnsel vm1, $0x0, v6  }
0x44: {  	s20 =	simm.s32 $0x0;
	vm1 =	vgt.s32 v7, $0x0;
	v6 =	vmin.u32 v6, $0xFF  }
0x45: {  	s21 =	simm.s32 $0x100;
	v9 =	vld [tilespmem:s19+$0x10];
	v7 =	vnsel vm1, $0x0, v7;
	v10 =	vor.u32 s20, v6  }
0x46: {  	s22 =	simm.s32 $0x40;
	v7 =	vmin.u32 v7, $0xFF;
	v6 =	vor.u32 s21, v6  }
0x47: {  	v12 =	vld [tilespmem:s22+$0x0];
	vm1 =	vgt.s32 v8, $0x0;
	v11 =	vor.u32 s20, v7  }
0x48: {  	v13 =	vld [tilespmem:s22+$0xFFFFFFF0];
	v8 =	vnsel vm1, $0x0, v8;
	v7 =	vor.u32 s21, v7  }
0x49: {  	v14 =	vld [tilespmem:s22+$0xFFFFFFE0];
	v8 =	vmin.u32 v8, $0xFF  }
0x4a: {  	vm1 =	vgt.s32 v9, $0x0;
	v15 =	vor.u32 s20, v8;
	v10 =	vld.idx.msk [tilespmem:v10+s13+$0x0], $0xffff  }
0x4b: {  	v9 =	vnsel vm1, $0x0, v9;
	v8 =	vor.u32 s21, v8;
	v6 =	vld.idx.msk [tilespmem:v6+s13+$0x0], $0xffff  }
0x4c: {  	v9 =	vmin.u32 v9, $0xFF;
	v11 =	vld.idx.msk [tilespmem:v11+s13+$0x0], $0xffff  }
0x4d: {  	v16 =	vor.u32 s20, v9;
	v7 =	vld.idx.msk [tilespmem:v7+s13+$0x0], $0xffff  }
0x4e: {  	v17 =	vld [tilespmem:s22+$0x10];
	v9 =	vor.u32 s21, v9  }
0x4f: {  	v15 =	vld.idx.msk [tilespmem:v15+s13+$0x0], $0xffff  }
0x50: {  	s24 =	simm.s32 $0x60;
	vm1 =	vgt.s32 v13, $0x0;
	v8 =	vld.idx.msk [tilespmem:v8+s13+$0x0], $0xffff  }
0x51: {  	v18 =	vld [tilespmem:s24+$0x0];
	v13 =	vnsel vm1, $0x0, v13;
	v6 =	vadd.s32 v10, v6  }
0x52: {  	s23 =	simm.s32 $0x100;
	vm1 =	vgt.s32 v14, $0x0;
	v13 =	vmin.u32 v13, $0xFF;
	v16 =	vld.idx.msk [tilespmem:v16+s13+$0x0], $0xffff;
	v7 =	vadd.s32 v11, v7  }
0x53: {  	s25 =	simm.s32 $0x200;
	v9 =	vld.idx.msk [tilespmem:v9+s13+$0x0], $0xffff;
	v11 =	vnsel vm1, $0x0, v14;
	v14 =	vor.u32 s23, v13  }
0x54: {  	v20 =	vld [tilespmem:s24+$0xFFFFFFE0];
	v13 =	vor.u32 s25, v13  }
0x55: {  	v10 =	vld [tilespmem:s24+$0xFFFFFFF0];
	v11 =	vmin.u32 v11, $0xFF;
	v8 =	vadd.s32 v15, v8  }
0x56: {  	vm1 =	vgt.s32 v12, $0x0;
	v19 =	vor.u32 s23, v11;
	v6 =	vld.idx.msk [tilespmem:v6+s10+$0x0], $0xffff  }
0x57: {  	v12 =	vnsel vm1, $0x0, v12;
	v11 =	vor.u32 s25, v11;
	v7 =	vld.idx.msk [tilespmem:v7+s10+$0x0], $0xffff  }
0x58: {  	vm1 =	vgt.s32 v17, $0x0;
	v9 =	vadd.s32 v16, v9;
	v12 =	vmin.u32 v12, $0xFF;
	v14 =	vld.idx.msk [tilespmem:v14+s13+$0x0], $0xffff  }
0x59: {  	v17 =	vnsel vm1, $0x0, v17;
	v16 =	vor.u32 s23, v12;
	v13 =	vld.idx.msk [tilespmem:v13+s13+$0x0], $0xffff  }
0x5a: {  	v12 =	vor.u32 s25, v12;
	v17 =	vmin.u32 v17, $0xFF;
	v8 =	vld.idx.msk [tilespmem:v8+s10+$0x0], $0xffff  }
0x5b: {  	v15 =	vld.idx.msk [tilespmem:v19+s13+$0x0], $0xffff;
	v19 =	vor.u32 s23, v17  }
0x5c: {  	v11 =	vld.idx.msk [tilespmem:v11+s13+$0x0], $0xffff;
	v17 =	vor.u32 s25, v17;
	v7 =	vadd.f32 $0.0e+00, v7  }
0x5d: {  	v9 =	vld.idx.msk [tilespmem:v9+s10+$0x0], $0xffff  }
0x5e: {  	vm1 =	vgt.s32 v10, $0x0;
	v16 =	vld.idx.msk [tilespmem:v16+s13+$0x0], $0xffff;
	v6 =	vadd.f32 v6, v7  }
0x5f: {  	v10 =	vnsel vm1, $0x0, v10;
	v13 =	vadd.s32 v14, v13;
	v7 =	vld.idx.msk [tilespmem:v12+s13+$0x0], $0xffff  }
0x60: {  	s26 =	simm.s32 $0x200;
	v12 =	vld.idx.msk [tilespmem:v19+s13+$0x0], $0xffff;
	v6 =	vadd.f32 v8, v6;
	v8 =	vmin.u32 v10, $0xFF  }
0x61: {  	vm1 =	vgt.s32 v20, $0x0;
	v10 =	vadd.s32 v15, v11;
	v11 =	vld.idx.msk [tilespmem:v17+s13+$0x0], $0xffff;
	v17 =	vor.u32 s26, v8  }
0x62: {  	s28 =	simm.s32 $0x80;
	s29 =	simm.s32 $0x300;
	v19 =	vld [tilespmem:s24+$0x10];
	v15 =	vnsel vm1, $0x0, v20;
	v6 =	vadd.f32 v9, v6  }
0x63: {  	v14 =	vld [tilespmem:s28+$0xFFFFFFF0];
	v15 =	vmin.u32 v15, $0xFF;
	v8 =	vor.u32 s29, v8  }
0x64: {  	v13 =	vld.idx.msk [tilespmem:v13+s10+$0x0], $0xffff;
	v20 =	vor.u32 s26, v15;
	(xrf2) =	vadd.scan.msk.f32 $0xffff, v6  }
0x65: {  	vm1 =	vgt.s32 v18, $0x0;
	v15 =	vor.u32 s29, v15;
	v6 =	vld [tilespmem:s28+$0xFFFFFFE0]  }
0x66: {  	v7 =	vadd.s32 v16, v7;
	v16 =	vld.idx.msk [tilespmem:v17+s13+$0x0], $0xffff;
	v17 =	vnsel vm1, $0x0, v18  }
0x67: {  	v10 =	vld.idx.msk [tilespmem:v10+s10+$0x0], $0xffff;
	v11 =	vadd.s32 v12, v11;
	vm1 =	vgt.s32 v19, $0x0;
	v12 =	vmin.u32 v17, $0xFF  }
0x68: {  	v8 =	vld.idx.msk [tilespmem:v8+s13+$0x0], $0xffff;
	v19 =	vnsel vm1, $0x0, v19;
	v18 =	vor.u32 s26, v12  }
0x69: {  	v17 =	vld.idx.msk [tilespmem:v20+s13+$0x0], $0xffff;
	v12 =	vor.u32 s29, v12;
	v19 =	vmin.u32 v19, $0xFF  }
0x6a: {  	v15 =	vld.idx.msk [tilespmem:v15+s13+$0x0], $0xffff;
	v20 =	vor.u32 s26, v19;
	v19 =	vor.u32 s29, v19  }
0x6b: {  	v7 =	vld.idx.msk [tilespmem:v7+s10+$0x0], $0xffff  }
0x6c: {  	v10 =	vadd.f32 $0.0e+00, v10;
	v11 =	vld.idx.msk [tilespmem:v11+s10+$0x0], $0xffff  }
0x6d: {  	v18 =	vld.idx.msk [tilespmem:v18+s13+$0x0], $0xffff  }
0x6e: {  	vm1 =	vgt.s32 v14, $0x0;
	v10 =	vadd.f32 v13, v10;
	v12 =	vld.idx.msk [tilespmem:v12+s13+$0x0], $0xffff;
	v13, _, _ =	vpop (xrf2)  }
0x6f: {  	v8 =	vadd.s32 v16, v8;
	v15 =	vadd.s32 v17, v15;
	v17 =	vld.idx.msk [tilespmem:v19+s13+$0x0], $0xffff;
	(v2sf) =	vpush v13, $0xF  }
0x70: {  	v7 =	vadd.f32 v7, v10;
	v13 =	vnsel vm1, $0x0, v14;
	v14 =	vld.idx.msk [tilespmem:v20+s13+$0x0], $0xffff;
	vm1 =	vgt.s32 v6, $0x0  }
0x71: {  	s30 =	simm.s32 $0x300;
	v9 =	vld [tilespmem:s28+$0x0];
	v13 =	vmin.u32 v13, $0xFF;
	v10 =	vnsel vm1, $0x0, v6  }
0x72: {  	s17 =	simm.s32 $0xA0;
	v20 =	vld [tilespmem:s28+$0x10];
	v7 =	vadd.f32 v11, v7;
	v19 =	vor.u32 s30, v13;
	v21 =	vmin.u32 v10, $0xFF  }
0x73: {  	v6 =	vld [tilespmem:s17+$0x0];
	v16 =	vor.u32 s30, v21  }
0x74: {  	v22 =	vld.idx.msk [tilespmem:v8+s10+$0x0], $0xffff;
	(xrf2) =	vadd.scan.msk.f32 $0xffff, v7;
	v18 =	vadd.s32 v18, v12  }
0x75: {  	v10 =	vld [tilespmem:s17+$0xFFFFFFF0];
	v17 =	vadd.s32 v14, v17  }
0x76: {  	s31 =	simm.s32 $0x400;
	vm1 =	vgt.s32 v9, $0x0;
	v15 =	vld.idx.msk [tilespmem:v15+s10+$0x0], $0xffff  }
0x77: {  	v9 =	vnsel vm1, $0x0, v9;
	v21 =	vor.u32 s31, v21;
	v7 =	vld.idx.msk [tilespmem:v19+s13+$0x0], $0xffff  }
0x78: {  	v13 =	vor.u32 s31, v13;
	vm1 =	vgt.s32 v20, $0x0;
	v19 =	vmin.u32 v9, $0xFF;
	v12 =	vld.idx.msk [tilespmem:v16+s13+$0x0], $0xffff  }
0x79: {  	v16 =	vor.u32 s30, v19;
	v9 =	vld.idx.msk [tilespmem:v18+s10+$0x0], $0xffff;
	v18 =	vnsel vm1, $0x0, v20  }
0x7a: {  	v19 =	vor.u32 s31, v19;
	v8 =	vld.idx.msk [tilespmem:v17+s10+$0x0], $0xffff;
	v17 =	vmin.u32 v18, $0xFF  }
0x7b: {  	v11 =	vld [tilespmem:s17+$0xFFFFFFE0];
	v20 =	vor.u32 s30, v17  }
0x7c: {  	v14 =	vld.idx.msk [tilespmem:v21+s13+$0x0], $0xffff;
	v21 =	vadd.f32 $0.0e+00, v15;
	v18 =	vor.u32 s31, v17  }
0x7d: {  	v15 =	vld.idx.msk [tilespmem:v13+s13+$0x0], $0xffff  }
0x7e: {  	s18 =	simm.s32 $0x500;
	s20 =	simm.s32 $0x600;
	v17 =	vadd.f32 v22, v21;
	v13 =	vld.idx.msk [tilespmem:v16+s13+$0x0], $0xffff;
	v16, _, _ =	vpop (xrf2);
	s19 =	spop (v2sf)  }
.LBB2_6:
0x7f: {  	p0 =	sne.s32 s20, $0x7F00;
	vm1 =	vgt.s32 v10, $0x0;
	v19 =	vld.idx.msk [tilespmem:v19+s13+$0x0], $0xffff;
	(v2sf) =	vpush v16, $0xF;
	[smem:s16] =	sst s19  }
0x80: {  	v10 =	vnsel vm1, $0x0, v10;
	v16 =	vld.idx.msk [tilespmem:v20+s13+$0x0], $0xffff;
	v9 =	vadd.f32 v9, v17  }
0x81: {  	s19 =	sadd.s32 $0xFFFFFF00, s18;
	vm1 =	vgt.s32 v11, $0x0;
	v12 =	vadd.s32 v12, v14;
	v17 =	vmin.u32 v10, $0xFF;
	v14 =	vld.idx.msk [tilespmem:v18+s13+$0x0], $0xffff  }
0x82: {  	v10 =	vnsel vm1, $0x0, v11;
	v18 =	vor.u32 s19, v17;
	v20 =	vld [tilespmem:s17+$0x10];
	s17 =	sadd.s32 $0x20, s17;
	v8 =	vadd.f32 v8, v9  }
0x83: {  	v21 =	vmin.u32 v10, $0xFF;
	v15 =	vadd.s32 v7, v15;
	v9 =	vld [tilespmem:s17+$0x0]  }
0x84: {  	v22 =	vor.u32 s19, v21;
	v10 =	vld [tilespmem:s17+$0xFFFFFFF0];
	(xrf2) =	vadd.scan.msk.f32 $0xffff, v8  }
0x85: {  	v8 =	vadd.s32 v13, v19;
	v11 =	vld [tilespmem:s17+$0xFFFFFFE0]  }
0x86: {  	vm1 =	vgt.s32 v6, $0x0;
	v13 =	vor.u32 s18, v21;
	v21 =	vld.idx.msk [tilespmem:v12+s10+$0x0], $0xffff  }
0x87: {  	v12 =	vnsel vm1, $0x0, v6;
	v16 =	vadd.s32 v16, v14;
	v7 =	vld.idx.msk [tilespmem:v18+s13+$0x0], $0xffff  }
0x88: {  	v17 =	vor.u32 s18, v17;
	v14 =	vmin.u32 v12, $0xFF;
	vm1 =	vgt.s32 v20, $0x0;
	v23 =	vld.idx.msk [tilespmem:v15+s10+$0x0], $0xffff;
	v6 =	vmovc v9  }
0x89: {  	v9 =	vnsel vm1, $0x0, v20;
	v12 =	vld.idx.msk [tilespmem:v22+s13+$0x0], $0xffff;
	v22 =	vor.u32 s19, v14  }
.Ltmp2:
0x8a: {  	v19 =	vor.u32 s18, v14;
	v15 =	vmin.u32 v9, $0xFF;
	v9 =	vld.idx.msk [tilespmem:v8+s10+$0x0], $0xffff;
	(pc) =	sbr.rel @p0 .LBB2_6-.Ltmp2, $4  }
0x8b: {  	v20 =	vor.u32 s19, v15;
	v14 =	vld.idx.msk [tilespmem:v13+s13+$0x0], $0xffff  }
0x8c: {  	v18 =	vor.u32 s18, v15;
	s18 =	smov.u32 s20;
	v21 =	vadd.f32 $0.0e+00, v21;
	v8 =	vld.idx.msk [tilespmem:v16+s10+$0x0], $0xffff  }
0x8d: {  	v15 =	vld.idx.msk [tilespmem:v17+s13+$0x0], $0xffff  }
0x8e: {  	s16 =	sadd.s32 $0x1, s16;
	s20 =	sadd.s32 $0x100, s20;
	v17 =	vadd.f32 v23, v21;
	v13 =	vld.idx.msk [tilespmem:v22+s13+$0x0], $0xffff;
	v16, _, _ =	vpop (xrf2);
	s19 =	spop (v2sf)  }
0x8f: {  	vm1 =	vgt.s32 v11, $0x0  }
0x90: {  	v21 =	vld [tilespmem:s17+$0x10];
	v11 =	vnsel vm1, $0x0, v11  }
0x91: {  	s24 =	sadd.s32 $0xFFFFFF00, s18;
	vm1 =	vgt.s32 v10, $0x0;
	v11 =	vmin.u32 v11, $0xFF  }
0x92: {  	v10 =	vnsel vm1, $0x0, v10;
	v22 =	vor.u32 s24, v11  }
0x93: {  	vm1 =	vgt.s32 v6, $0x0;
	v10 =	vmin.u32 v10, $0xFF;
	v11 =	vor.u32 s18, v11  }
0x94: {  	v19 =	vld.idx.msk [tilespmem:v19+s13+$0x0], $0xffff;
	v6 =	vnsel vm1, $0x0, v6;
	v23 =	vor.u32 s24, v10  }
0x95: {  	v20 =	vld.idx.msk [tilespmem:v20+s13+$0x0], $0xffff;
	v10 =	vor.u32 s18, v10;
	v6 =	vmin.u32 v6, $0xFF;
	vm1 =	vgt.s32 v21, $0x0  }
0x96: {  	v18 =	vld.idx.msk [tilespmem:v18+s13+$0x0], $0xffff;
	v24 =	vor.u32 s24, v6;
	v21 =	vnsel vm1, $0x0, v21  }
0x97: {  	v6 =	vor.u32 s18, v6;
	v21 =	vmin.u32 v21, $0xFF;
	v22 =	vld.idx.msk [tilespmem:v22+s13+$0x0], $0xffff  }
0x98: {  	v11 =	vld.idx.msk [tilespmem:v11+s13+$0x0], $0xffff;
	v25 =	vor.u32 s24, v21  }
0x99: {  	v21 =	vor.u32 s18, v21;
	v23 =	vld.idx.msk [tilespmem:v23+s13+$0x0], $0xffff  }
0x9a: {  	v10 =	vld.idx.msk [tilespmem:v10+s13+$0x0], $0xffff  }
0x9b: {  	v58 =	vld.idx.msk [tilespmem:v24+s13+$0x0], $0xffff  }
0x9c: {  	v12 =	vadd.s32 v12, v14;
	v6 =	vld.idx.msk [tilespmem:v6+s13+$0x0], $0xffff  }
0x9d: {  	v11 =	vadd.s32 v22, v11;
	v59 =	vld.idx.msk [tilespmem:v25+s13+$0x0], $0xffff  }
0x9e: {  	v7 =	vadd.s32 v7, v15;
	v60 =	vld.idx.msk [tilespmem:v21+s13+$0x0], $0xffff  }
0x9f: {  	v10 =	vadd.s32 v23, v10  }
0xa0: {  	v13 =	vadd.s32 v13, v19  }
0xa1: {  	v12 =	vld.idx.msk [tilespmem:v12+s10+$0x0], $0xffff;
	v6 =	vadd.s32 v58, v6  }
0xa2: {  	v18 =	vadd.s32 v20, v18;
	v11 =	vld.idx.msk [tilespmem:v11+s10+$0x0], $0xffff  }
0xa3: {  	v7 =	vld.idx.msk [tilespmem:v7+s10+$0x0], $0xffff;
	v61 =	vadd.s32 v59, v60  }
0xa4: {  	v10 =	vld.idx.msk [tilespmem:v10+s10+$0x0], $0xffff  }
0xa5: {  	v13 =	vld.idx.msk [tilespmem:v13+s10+$0x0], $0xffff  }
0xa6: {  	v12 =	vadd.f32 $0.0e+00, v12;
	v6 =	vld.idx.msk [tilespmem:v6+s10+$0x0], $0xffff  }
0xa7: {  	v62 =	vld.idx.msk [tilespmem:v18+s10+$0x0], $0xffff;
	v11 =	vadd.f32 $0.0e+00, v11  }
0xa8: {  	v7 =	vadd.f32 v7, v12;
	v63 =	vld.idx.msk [tilespmem:v61+s10+$0x0], $0xffff  }
0xa9: {  	v9 =	vadd.f32 v9, v17;
	v10 =	vadd.f32 v10, v11  }
0xaa: {  	v7 =	vadd.f32 v13, v7  }
0xab: {  	v8 =	vadd.f32 v8, v9;
	v6 =	vadd.f32 v6, v10  }
0xac: {  	v7 =	vadd.f32 v62, v7  }
0xad: {  	(xrf2) =	vadd.scan.msk.f32 $0xffff, v8;
	v6 =	vadd.f32 v63, v6  }
0xae: {  	(xrf2) =	vadd.scan.msk.f32 $0xffff, v7  }
0xaf: {  	(xrf2) =	vadd.scan.msk.f32 $0xffff, v6;
	_ =	sdelay $0x7  }
0xb0: {  	(v2sf) =	vpush v16, $0xF;
	v6, _, _ =	vpop (xrf2)  }
0xb1: {  	v7, _, _ =	vpop (xrf2);
	(v2sf) =	vpush v6, $0xF  }
0xb2: {  	(v2sf) =	vpush v7, $0xF;
	v6, _, _ =	vpop (xrf2)  }
0xb3: {  	(v2sf) =	vpush v6, $0xF;
	_ =	sdelay $0xa  }
0xb4: {  	[smem:s16] =	sst s19  }
0xb5: {  	s26 =	sadd.s32 $0x1, s16;
	s31 =	simm.s32 $0x0;
	s25 =	spop (v2sf)  }
0xb6: {  	s16 =	sadd.s32 $0x1, s26;
	[smem:s26] =	sst s25;
	s28 =	spop (v2sf)  }
0xb7: {  	s29 =	spop (v2sf);
	[smem:s16] =	sst s28;
	s16 =	sadd.s32 $0x1, s16  }
0xb8: {  	[smem:s16] =	sst s29;
	s16 =	sadd.s32 $0x1, s16;
	s30 =	spop (v2sf)  }
0xb9: {  	v7 =	vld [tilespmem:s31+$0x1000];
	v6 =	vimm.s32 $0x0;
	[smem:s16] =	sst s30;
	s16 =	simm.s32 $0x400  }
.LBB2_8:
0xba: {  	p0 =	sne.s32 s16, $0x1FC00  }
.Ltmp3:
0xbb: {  	_ = 	snop;
	(pc) =	sbr.rel @p0 .LBB2_8-.Ltmp3, $3  }
0xbc: {  	_ =	sdelay $0x1  }
0xbd: {  	s17 =	sshra.s32 s16, $0x2;
	s16 =	sadd.s32 $0x400, s16;
	v6 =	vadd.s32 v6, v7  }
0xbe: {  	v7 =	vld [tilespmem:s17+$0x1000]  }
0xbf: {  	_ =	sdelay $0x3  }
0xc0: {  	v6 =	vadd.s32 v6, v7  }
0xc1: {  	v7 =	vcvt.s32.f32 v6;
	_ =	sdelay $0x1  }
0xc2: {  	v7 =	vmul.f32 $2.441406250e-04, v7;
	_ =	sdelay $0x1  }
0xc3: {  	[tilespmem:$0xA180] =	vst v7  }
0xc4: {  	s17 =	simm.s32 $0x0;
	v6 =	vld.idx.msk [tilespmem:v6+s12+$0x0], $0xffff  }
0xc5: {  	s16 =	simm.s32 $0x400;
	v7 =	vimm.s32 $0x0;
	v8 =	vld [tilespmem:s17+$0x1010]  }
.LBB2_10:
0xc6: {  	p0 =	sne.s32 s16, $0x1FC00  }
.Ltmp4:
0xc7: {  	_ = 	snop;
	(pc) =	sbr.rel @p0 .LBB2_10-.Ltmp4, $3  }
0xc8: {  	_ =	sdelay $0x1  }
0xc9: {  	s17 =	sshra.s32 s16, $0x2;
	s16 =	sadd.s32 $0x400, s16;
	v7 =	vadd.s32 v7, v8  }
0xca: {  	v8 =	vld [tilespmem:s17+$0x1010]  }
0xcb: {  	_ =	sdelay $0x3  }
0xcc: {  	v7 =	vadd.s32 v7, v8  }
0xcd: {  	v8 =	vcvt.s32.f32 v7;
	_ =	sdelay $0x1  }
0xce: {  	v8 =	vmul.f32 $2.441406250e-04, v8;
	_ =	sdelay $0x1  }
0xcf: {  	[tilespmem:$0xA190] =	vst v8  }
0xd0: {  	s17 =	simm.s32 $0x0;
	v7 =	vld.idx.msk [tilespmem:v7+s12+$0x0], $0xffff  }
0xd1: {  	s16 =	simm.s32 $0x400;
	v8 =	vimm.s32 $0x0;
	v9 =	vld [tilespmem:s17+$0x1020]  }
.LBB2_12:
0xd2: {  	p0 =	sne.s32 s16, $0x1FC00  }
.Ltmp5:
0xd3: {  	_ = 	snop;
	(pc) =	sbr.rel @p0 .LBB2_12-.Ltmp5, $3  }
0xd4: {  	_ =	sdelay $0x1  }
0xd5: {  	s17 =	sshra.s32 s16, $0x2;
	s16 =	sadd.s32 $0x400, s16;
	v8 =	vadd.s32 v8, v9  }
0xd6: {  	v9 =	vld [tilespmem:s17+$0x1020]  }
0xd7: {  	_ =	sdelay $0x3  }
0xd8: {  	v8 =	vadd.s32 v8, v9  }
0xd9: {  	v9 =	vcvt.s32.f32 v8;
	_ =	sdelay $0x1  }
0xda: {  	v9 =	vmul.f32 $2.441406250e-04, v9;
	_ =	sdelay $0x1  }
0xdb: {  	[tilespmem:$0xA1A0] =	vst v9  }
0xdc: {  	s17 =	simm.s32 $0x0;
	v8 =	vld.idx.msk [tilespmem:v8+s12+$0x0], $0xffff  }
0xdd: {  	s16 =	simm.s32 $0x400;
	v9 =	vimm.s32 $0x0;
	v10 =	vld [tilespmem:s17+$0x1030]  }
.LBB2_14:
0xde: {  	p0 =	sne.s32 s16, $0x1FC00  }
.Ltmp6:
0xdf: {  	_ = 	snop;
	(pc) =	sbr.rel @p0 .LBB2_14-.Ltmp6, $3  }
0xe0: {  	_ =	sdelay $0x1  }
0xe1: {  	s17 =	sshra.s32 s16, $0x2;
	s16 =	sadd.s32 $0x400, s16;
	v9 =	vadd.s32 v9, v10  }
0xe2: {  	v10 =	vld [tilespmem:s17+$0x1030]  }
0xe3: {  	_ =	sdelay $0x3  }
0xe4: {  	v9 =	vadd.s32 v9, v10  }
0xe5: {  	v10 =	vcvt.s32.f32 v9;
	_ =	sdelay $0x1  }
0xe6: {  	v10 =	vmul.f32 $2.441406250e-04, v10;
	_ =	sdelay $0x1  }
0xe7: {  	[tilespmem:$0xA1B0] =	vst v10  }
0xe8: {  	s17 =	simm.s32 $0x0;
	v9 =	vld.idx.msk [tilespmem:v9+s12+$0x0], $0xffff  }
0xe9: {  	s16 =	simm.s32 $0x400;
	v10 =	vimm.s32 $0x0;
	v11 =	vld [tilespmem:s17+$0x1040]  }
.LBB2_16:
0xea: {  	p0 =	sne.s32 s16, $0x1FC00  }
.Ltmp7:
0xeb: {  	_ = 	snop;
	(pc) =	sbr.rel @p0 .LBB2_16-.Ltmp7, $3  }
0xec: {  	_ =	sdelay $0x1  }
0xed: {  	s17 =	sshra.s32 s16, $0x2;
	s16 =	sadd.s32 $0x400, s16;
	v10 =	vadd.s32 v10, v11  }
0xee: {  	v11 =	vld [tilespmem:s17+$0x1040]  }
0xef: {  	_ =	sdelay $0x3  }
0xf0: {  	v10 =	vadd.s32 v10, v11  }
0xf1: {  	v11 =	vcvt.s32.f32 v10;
	_ =	sdelay $0x1  }
0xf2: {  	v11 =	vmul.f32 $2.441406250e-04, v11;
	_ =	sdelay $0x1  }
0xf3: {  	[tilespmem:$0xA1C0] =	vst v11  }
0xf4: {  	s17 =	simm.s32 $0x0;
	v10 =	vld.idx.msk [tilespmem:v10+s12+$0x0], $0xffff  }
0xf5: {  	s16 =	simm.s32 $0x400;
	v11 =	vimm.s32 $0x0;
	v12 =	vld [tilespmem:s17+$0x1050]  }
.LBB2_18:
0xf6: {  	p0 =	sne.s32 s16, $0x1FC00  }
.Ltmp8:
0xf7: {  	_ = 	snop;
	(pc) =	sbr.rel @p0 .LBB2_18-.Ltmp8, $3  }
0xf8: {  	_ =	sdelay $0x1  }
0xf9: {  	s17 =	sshra.s32 s16, $0x2;
	s16 =	sadd.s32 $0x400, s16;
	v11 =	vadd.s32 v11, v12  }
0xfa: {  	v12 =	vld [tilespmem:s17+$0x1050]  }
0xfb: {  	_ =	sdelay $0x3  }
0xfc: {  	v11 =	vadd.s32 v11, v12  }
0xfd: {  	v12 =	vcvt.s32.f32 v11;
	_ =	sdelay $0x1  }
0xfe: {  	v12 =	vmul.f32 $2.441406250e-04, v12;
	_ =	sdelay $0x1  }
0xff: {  	[tilespmem:$0xA1D0] =	vst v12  }
0x100: {  	s17 =	simm.s32 $0x0;
	v11 =	vld.idx.msk [tilespmem:v11+s12+$0x0], $0xffff  }
0x101: {  	s16 =	simm.s32 $0x400;
	v12 =	vimm.s32 $0x0;
	v13 =	vld [tilespmem:s17+$0x1060]  }
.LBB2_20:
0x102: {  	p0 =	sne.s32 s16, $0x1FC00  }
.Ltmp9:
0x103: {  	_ = 	snop;
	(pc) =	sbr.rel @p0 .LBB2_20-.Ltmp9, $3  }
0x104: {  	_ =	sdelay $0x1  }
0x105: {  	s17 =	sshra.s32 s16, $0x2;
	s16 =	sadd.s32 $0x400, s16;
	v12 =	vadd.s32 v12, v13  }
0x106: {  	v13 =	vld [tilespmem:s17+$0x1060]  }
0x107: {  	_ =	sdelay $0x3  }
0x108: {  	v12 =	vadd.s32 v12, v13  }
0x109: {  	v13 =	vcvt.s32.f32 v12;
	_ =	sdelay $0x1  }
0x10a: {  	v13 =	vmul.f32 $2.441406250e-04, v13;
	_ =	sdelay $0x1  }
0x10b: {  	[tilespmem:$0xA1E0] =	vst v13  }
0x10c: {  	s17 =	simm.s32 $0x0;
	v12 =	vld.idx.msk [tilespmem:v12+s12+$0x0], $0xffff  }
0x10d: {  	s16 =	simm.s32 $0x400;
	v13 =	vimm.s32 $0x0;
	v14 =	vld [tilespmem:s17+$0x1070]  }
.LBB2_22:
0x10e: {  	p0 =	sne.s32 s16, $0x1FC00  }
.Ltmp10:
0x10f: {  	_ = 	snop;
	(pc) =	sbr.rel @p0 .LBB2_22-.Ltmp10, $3  }
0x110: {  	_ =	sdelay $0x1  }
0x111: {  	s17 =	sshra.s32 s16, $0x2;
	s16 =	sadd.s32 $0x400, s16;
	v13 =	vadd.s32 v13, v14  }
0x112: {  	v14 =	vld [tilespmem:s17+$0x1070]  }
0x113: {  	_ =	sdelay $0x3  }
0x114: {  	v13 =	vadd.s32 v13, v14  }
0x115: {  	v14 =	vcvt.s32.f32 v13;
	_ =	sdelay $0x1  }
0x116: {  	v14 =	vmul.f32 $2.441406250e-04, v14;
	_ =	sdelay $0x1  }
0x117: {  	[tilespmem:$0xA1F0] =	vst v14  }
0x118: {  	s17 =	simm.s32 $0x0;
	v13 =	vld.idx.msk [tilespmem:v13+s12+$0x0], $0xffff  }
0x119: {  	s16 =	simm.s32 $0x400;
	v14 =	vimm.s32 $0x0;
	v15 =	vld [tilespmem:s17+$0x1080]  }
.LBB2_24:
0x11a: {  	p0 =	sne.s32 s16, $0x1FC00  }
.Ltmp11:
0x11b: {  	_ = 	snop;
	(pc) =	sbr.rel @p0 .LBB2_24-.Ltmp11, $3  }
0x11c: {  	_ =	sdelay $0x1  }
0x11d: {  	s17 =	sshra.s32 s16, $0x2;
	s16 =	sadd.s32 $0x400, s16;
	v14 =	vadd.s32 v14, v15  }
0x11e: {  	v15 =	vld [tilespmem:s17+$0x1080]  }
0x11f: {  	_ =	sdelay $0x3  }
0x120: {  	v14 =	vadd.s32 v14, v15  }
0x121: {  	v15 =	vcvt.s32.f32 v14;
	_ =	sdelay $0x1  }
0x122: {  	v15 =	vmul.f32 $2.441406250e-04, v15;
	_ =	sdelay $0x1  }
0x123: {  	[tilespmem:$0xA200] =	vst v15  }
0x124: {  	s17 =	simm.s32 $0x0;
	v14 =	vld.idx.msk [tilespmem:v14+s12+$0x0], $0xffff  }
0x125: {  	s16 =	simm.s32 $0x400;
	v15 =	vimm.s32 $0x0;
	v16 =	vld [tilespmem:s17+$0x1090]  }
.LBB2_26:
0x126: {  	p0 =	sne.s32 s16, $0x1FC00  }
.Ltmp12:
0x127: {  	_ = 	snop;
	(pc) =	sbr.rel @p0 .LBB2_26-.Ltmp12, $3  }
0x128: {  	_ =	sdelay $0x1  }
0x129: {  	s17 =	sshra.s32 s16, $0x2;
	s16 =	sadd.s32 $0x400, s16;
	v15 =	vadd.s32 v15, v16  }
0x12a: {  	v16 =	vld [tilespmem:s17+$0x1090]  }
0x12b: {  	_ =	sdelay $0x3  }
0x12c: {  	v15 =	vadd.s32 v15, v16  }
0x12d: {  	v16 =	vcvt.s32.f32 v15;
	_ =	sdelay $0x1  }
0x12e: {  	v16 =	vmul.f32 $2.441406250e-04, v16;
	_ =	sdelay $0x1  }
0x12f: {  	[tilespmem:$0xA210] =	vst v16  }
0x130: {  	s17 =	simm.s32 $0x0;
	v15 =	vld.idx.msk [tilespmem:v15+s12+$0x0], $0xffff  }
0x131: {  	s16 =	simm.s32 $0x400;
	v16 =	vimm.s32 $0x0;
	v17 =	vld [tilespmem:s17+$0x10A0]  }
.LBB2_28:
0x132: {  	p0 =	sne.s32 s16, $0x1FC00  }
.Ltmp13:
0x133: {  	_ = 	snop;
	(pc) =	sbr.rel @p0 .LBB2_28-.Ltmp13, $3  }
0x134: {  	_ =	sdelay $0x1  }
0x135: {  	s17 =	sshra.s32 s16, $0x2;
	s16 =	sadd.s32 $0x400, s16;
	v16 =	vadd.s32 v16, v17  }
0x136: {  	v17 =	vld [tilespmem:s17+$0x10A0]  }
0x137: {  	_ =	sdelay $0x3  }
0x138: {  	v16 =	vadd.s32 v16, v17  }
0x139: {  	v17 =	vcvt.s32.f32 v16;
	_ =	sdelay $0x1  }
0x13a: {  	v17 =	vmul.f32 $2.441406250e-04, v17;
	_ =	sdelay $0x1  }
0x13b: {  	[tilespmem:$0xA220] =	vst v17  }
0x13c: {  	s17 =	simm.s32 $0x0;
	v16 =	vld.idx.msk [tilespmem:v16+s12+$0x0], $0xffff  }
0x13d: {  	s16 =	simm.s32 $0x400;
	v17 =	vimm.s32 $0x0;
	v18 =	vld [tilespmem:s17+$0x10B0]  }
.LBB2_30:
0x13e: {  	p0 =	sne.s32 s16, $0x1FC00  }
.Ltmp14:
0x13f: {  	_ = 	snop;
	(pc) =	sbr.rel @p0 .LBB2_30-.Ltmp14, $3  }
0x140: {  	_ =	sdelay $0x1  }
0x141: {  	s17 =	sshra.s32 s16, $0x2;
	s16 =	sadd.s32 $0x400, s16;
	v17 =	vadd.s32 v17, v18  }
0x142: {  	v18 =	vld [tilespmem:s17+$0x10B0]  }
0x143: {  	_ =	sdelay $0x3  }
0x144: {  	v17 =	vadd.s32 v17, v18  }
0x145: {  	v18 =	vcvt.s32.f32 v17;
	_ =	sdelay $0x1  }
0x146: {  	v18 =	vmul.f32 $2.441406250e-04, v18;
	_ =	sdelay $0x1  }
0x147: {  	[tilespmem:$0xA230] =	vst v18  }
0x148: {  	s17 =	simm.s32 $0x0;
	v17 =	vld.idx.msk [tilespmem:v17+s12+$0x0], $0xffff  }
0x149: {  	s16 =	simm.s32 $0x400;
	v18 =	vimm.s32 $0x0;
	v19 =	vld [tilespmem:s17+$0x10C0]  }
.LBB2_32:
0x14a: {  	p0 =	sne.s32 s16, $0x1FC00  }
.Ltmp15:
0x14b: {  	_ = 	snop;
	(pc) =	sbr.rel @p0 .LBB2_32-.Ltmp15, $3  }
0x14c: {  	_ =	sdelay $0x1  }
0x14d: {  	s17 =	sshra.s32 s16, $0x2;
	s16 =	sadd.s32 $0x400, s16;
	v18 =	vadd.s32 v18, v19  }
0x14e: {  	v19 =	vld [tilespmem:s17+$0x10C0]  }
0x14f: {  	_ =	sdelay $0x3  }
0x150: {  	v18 =	vadd.s32 v18, v19  }
0x151: {  	v19 =	vcvt.s32.f32 v18;
	_ =	sdelay $0x1  }
0x152: {  	v19 =	vmul.f32 $2.441406250e-04, v19;
	_ =	sdelay $0x1  }
0x153: {  	[tilespmem:$0xA240] =	vst v19  }
0x154: {  	s17 =	simm.s32 $0x0;
	v18 =	vld.idx.msk [tilespmem:v18+s12+$0x0], $0xffff  }
0x155: {  	s16 =	simm.s32 $0x400;
	v19 =	vimm.s32 $0x0;
	v20 =	vld [tilespmem:s17+$0x10D0]  }
.LBB2_34:
0x156: {  	p0 =	sne.s32 s16, $0x1FC00  }
.Ltmp16:
0x157: {  	_ = 	snop;
	(pc) =	sbr.rel @p0 .LBB2_34-.Ltmp16, $3  }
0x158: {  	_ =	sdelay $0x1  }
0x159: {  	s17 =	sshra.s32 s16, $0x2;
	s16 =	sadd.s32 $0x400, s16;
	v19 =	vadd.s32 v19, v20  }
0x15a: {  	v20 =	vld [tilespmem:s17+$0x10D0]  }
0x15b: {  	_ =	sdelay $0x3  }
0x15c: {  	v19 =	vadd.s32 v19, v20  }
0x15d: {  	v20 =	vcvt.s32.f32 v19;
	_ =	sdelay $0x1  }
0x15e: {  	v20 =	vmul.f32 $2.441406250e-04, v20;
	_ =	sdelay $0x1  }
0x15f: {  	[tilespmem:$0xA250] =	vst v20  }
0x160: {  	s17 =	simm.s32 $0x0;
	v19 =	vld.idx.msk [tilespmem:v19+s12+$0x0], $0xffff  }
0x161: {  	s16 =	simm.s32 $0x400;
	v20 =	vimm.s32 $0x0;
	v21 =	vld [tilespmem:s17+$0x10E0]  }
.LBB2_36:
0x162: {  	p0 =	sne.s32 s16, $0x1FC00  }
.Ltmp17:
0x163: {  	_ = 	snop;
	(pc) =	sbr.rel @p0 .LBB2_36-.Ltmp17, $3  }
0x164: {  	_ =	sdelay $0x1  }
0x165: {  	s17 =	sshra.s32 s16, $0x2;
	s16 =	sadd.s32 $0x400, s16;
	v20 =	vadd.s32 v20, v21  }
0x166: {  	v21 =	vld [tilespmem:s17+$0x10E0]  }
0x167: {  	_ =	sdelay $0x3  }
0x168: {  	v20 =	vadd.s32 v20, v21  }
0x169: {  	v21 =	vcvt.s32.f32 v20;
	_ =	sdelay $0x1  }
0x16a: {  	v21 =	vmul.f32 $2.441406250e-04, v21;
	_ =	sdelay $0x1  }
0x16b: {  	[tilespmem:$0xA260] =	vst v21  }
0x16c: {  	s17 =	simm.s32 $0x0;
	v20 =	vld.idx.msk [tilespmem:v20+s12+$0x0], $0xffff  }
0x16d: {  	s16 =	simm.s32 $0x400;
	v21 =	vimm.s32 $0x0;
	v22 =	vld [tilespmem:s17+$0x10F0]  }
.LBB2_38:
0x16e: {  	p0 =	sne.s32 s16, $0x1FC00  }
.Ltmp18:
0x16f: {  	_ = 	snop;
	(pc) =	sbr.rel @p0 .LBB2_38-.Ltmp18, $3  }
0x170: {  	_ =	sdelay $0x1  }
0x171: {  	s17 =	sshra.s32 s16, $0x2;
	s16 =	sadd.s32 $0x400, s16;
	v21 =	vadd.s32 v21, v22  }
0x172: {  	v22 =	vld [tilespmem:s17+$0x10F0]  }
0x173: {  	_ =	sdelay $0x3  }
0x174: {  	v21 =	vadd.s32 v21, v22  }
0x175: {  	v22 =	vcvt.s32.f32 v21;
	_ =	sdelay $0x1  }
0x176: {  	v22 =	vmul.f32 $2.441406250e-04, v22;
	_ =	sdelay $0x1  }
0x177: {  	[tilespmem:$0xA270] =	vst v22;
	v22 =	vld [tilespmem:$0x9080];
	_ =	sdelay $0x1  }
0x178: {  	v21 =	vld.idx.msk [tilespmem:v21+s12+$0x0], $0xffff;
	s16 =	sld [smem:$0x0];
	_ =	sdelay $0x2  }
0x179: {  	vm1 =	vge.f32 v22, s16  }
0x17a: {  	v23 =	vimm.f32 $0.0e+00;
	s16 =	simm.s32 $0x4;
	v24 =	vsel vm1, $0x3F800000, v0  }
.LBB2_40:
0x17b: {  	s17 =	sshra.s32 s16, $0x2;
	p0 =	sne.s32 s16, $0x1F8;
	s16 =	sadd.s32 $0x4, s16;
	v23 =	vadd.f32 v24, v23  }
.Ltmp19:
0x17c: {  	s17 =	sld [smem:s17+$0x0];
	(pc) =	sbr.rel @p0 .LBB2_40-.Ltmp19, $3  }
0x17d: {  	_ =	sdelay $0x1  }
0x17e: {  	vm1 =	vge.f32 v22, s17  }
0x17f: {  	v24 =	vsel vm1, $0x3F800000, v0  }
0x180: {  	v22 =	vadd.f32 v24, v23;
	_ =	sdelay $0x1  }
0x181: {  	v23 =	vmul.f32 v22, v3  }
0x182: {  	v22 =	vld [tilespmem:$0x9090]  }
0x183: {  	[tilespmem:$0xA280] =	vst v23  }
0x184: {  	s16 =	sld [smem:$0x0];
	_ =	sdelay $0x2  }
0x185: {  	vm1 =	vge.f32 v22, s16  }
0x186: {  	v23 =	vimm.f32 $0.0e+00;
	s16 =	simm.s32 $0x4;
	v24 =	vsel vm1, $0x3F800000, v0  }
.LBB2_42:
0x187: {  	s17 =	sshra.s32 s16, $0x2;
	p0 =	sne.s32 s16, $0x1F8;
	s16 =	sadd.s32 $0x4, s16;
	v23 =	vadd.f32 v24, v23  }
.Ltmp20:
0x188: {  	s17 =	sld [smem:s17+$0x0];
	(pc) =	sbr.rel @p0 .LBB2_42-.Ltmp20, $3  }
0x189: {  	_ =	sdelay $0x1  }
0x18a: {  	vm1 =	vge.f32 v22, s17  }
0x18b: {  	v24 =	vsel vm1, $0x3F800000, v0  }
0x18c: {  	v22 =	vadd.f32 v24, v23;
	_ =	sdelay $0x1  }
0x18d: {  	v23 =	vmul.f32 v22, v3  }
0x18e: {  	v22 =	vld [tilespmem:$0x90A0]  }
0x18f: {  	[tilespmem:$0xA290] =	vst v23  }
0x190: {  	s16 =	sld [smem:$0x0];
	_ =	sdelay $0x2  }
0x191: {  	vm1 =	vge.f32 v22, s16  }
0x192: {  	v23 =	vimm.f32 $0.0e+00;
	s16 =	simm.s32 $0x4;
	v24 =	vsel vm1, $0x3F800000, v0  }
.LBB2_44:
0x193: {  	s17 =	sshra.s32 s16, $0x2;
	p0 =	sne.s32 s16, $0x1F8;
	s16 =	sadd.s32 $0x4, s16;
	v23 =	vadd.f32 v24, v23  }
.Ltmp21:
0x194: {  	s17 =	sld [smem:s17+$0x0];
	(pc) =	sbr.rel @p0 .LBB2_44-.Ltmp21, $3  }
0x195: {  	_ =	sdelay $0x1  }
0x196: {  	vm1 =	vge.f32 v22, s17  }
0x197: {  	v24 =	vsel vm1, $0x3F800000, v0  }
0x198: {  	v22 =	vadd.f32 v24, v23;
	_ =	sdelay $0x1  }
0x199: {  	v22 =	vmul.f32 v22, v3  }
0x19a: {  	v24 =	vld [tilespmem:$0x90B0]  }
0x19b: {  	[tilespmem:$0xA2A0] =	vst v22  }
0x19c: {  	s16 =	sld [smem:$0x0];
	_ =	sdelay $0x2  }
0x19d: {  	vm1 =	vge.f32 v24, s16  }
0x19e: {  	v22 =	vimm.f32 $0.0e+00;
	s16 =	simm.s32 $0x4;
	v23 =	vsel vm1, $0x3F800000, v0  }
.LBB2_46:
0x19f: {  	s17 =	sshra.s32 s16, $0x2;
	p0 =	sne.s32 s16, $0x1F8;
	s16 =	sadd.s32 $0x4, s16;
	v22 =	vadd.f32 v23, v22  }
.Ltmp22:
0x1a0: {  	s17 =	sld [smem:s17+$0x0];
	(pc) =	sbr.rel @p0 .LBB2_46-.Ltmp22, $3  }
0x1a1: {  	_ =	sdelay $0x1  }
0x1a2: {  	vm1 =	vge.f32 v24, s17  }
0x1a3: {  	v23 =	vsel vm1, $0x3F800000, v0  }
0x1a4: {  	v6 =	vadd.f32 $0.0e+00, v6;
	_ =	sdelay $0x1  }
0x1a5: {  	v6 =	vadd.f32 v7, v6;
	_ =	sdelay $0x1  }
0x1a6: {  	v6 =	vadd.f32 v8, v6;
	_ =	sdelay $0x1  }
0x1a7: {  	v6 =	vadd.f32 v9, v6;
	_ =	sdelay $0x1  }
0x1a8: {  	v6 =	vadd.f32 v10, v6;
	_ =	sdelay $0x1  }
0x1a9: {  	v6 =	vadd.f32 v11, v6;
	_ =	sdelay $0x1  }
0x1aa: {  	v6 =	vadd.f32 v12, v6;
	_ =	sdelay $0x1  }
0x1ab: {  	v6 =	vadd.f32 v13, v6;
	_ =	sdelay $0x1  }
0x1ac: {  	v6 =	vadd.f32 v14, v6;
	_ =	sdelay $0x1  }
0x1ad: {  	v6 =	vadd.f32 v15, v6;
	_ =	sdelay $0x1  }
0x1ae: {  	v6 =	vadd.f32 v16, v6;
	_ =	sdelay $0x1  }
0x1af: {  	v6 =	vadd.f32 v17, v6;
	_ =	sdelay $0x1  }
0x1b0: {  	v6 =	vadd.f32 v18, v6;
	_ =	sdelay $0x1  }
0x1b1: {  	v6 =	vadd.f32 v19, v6;
	_ =	sdelay $0x1  }
0x1b2: {  	v6 =	vadd.f32 v20, v6;
	_ =	sdelay $0x1  }
0x1b3: {  	v6 =	vadd.f32 v21, v6;
	_ =	sdelay $0x1  }
0x1b4: {  	(xrf2) =	vadd.scan.msk.f32 $0xffff, v6;
	_ =	sdelay $0x8  }
0x1b5: {  	v6 =	vadd.f32 v23, v22  }
0x1b6: {  	[tilespmem:$0xA2D0] =	vst v5;
	v7, _, _ =	vpop (xrf2)  }
0x1b7: {  	[tilespmem:$0xA2E0] =	vst v5;
	v6 =	vmul.f32 v6, v3;
	v7 =	vbroadcast v7, $0xF  }
0x1b8: {  	[tilespmem:$0xA2F0] =	vst v5;
	s15 =	sadd.s32 $0x1, s15  }
0x1b9: {  	p0 =	sne.s32 s15, s8;
	[tilespmem:$0xA2B0] =	vst v6;
	v6 =	vnsel vm0, $0x0, v7  }
.Ltmp23:
0x1ba: {  	[tilespmem:$0xA2C0] =	vst v6;
	(pc) =	sbr.rel @p0 .LBB2_1-.Ltmp23, $4  }
0x1bb: {  	[hbm4b:s7+s2] =	stream.linear.scatter [tilespmem:s14], [sflag:$0x1], $0x180, $0x38;
	[tilespmem:$0xA300] =	vst v63  }
0x1bc: {  	_ =	swait.ge [sflag:s9], $0x180  }
0x1bd: {  	[sflag:s9] =	ssyncset.done $0x0  }
0x1be: {  	[sflag:s9] =	ssyncadd.s32 $0xFFFFFE80  }
0x1bf: {  	_ =	sfence.sel $0x180000  }
0x1c0: {  	[bflag:$0x0] =	sbarrier.arrive $0xFFFF  }
0x1c1: {  	p0 =	sne.s32 s3, $0x0;
	_ =	strace $0x90000047  }
0x1c2: {  	s0 =	sadd.s32 @!p0 $0x100000, s0;
	[bflag:$0x2] =	sbarrier.arrive $0xFFFF  }
0x1c3: {  	[sflag:s0] =	ssyncadd.tile.s32 @!p0 $0x1;
	_ =	shalt  }
.Lfunc_end2:
_tile_overlayer_lowered:
.L_overlay_start_2:
0x1c4: {  	(tag) =	ssettag $0x2  }
0x1c5: {  	s0 =	rddreg [dreg:$0x0];
	s2 =	stileid.u32  }
0x1c6: {  	s1 =	rddreg [dreg:$0x1];
	p0 =	sne.s32 s2, $0x0  }
0x1c7: {  	s3 =	rddreg [dreg:$0x2];
	[bflag:$0x3] =	sbarrier.arrive $0xFFFF;
	s2 =	simm.s32 @!p0 $0x1C01  }
0x1c8: {  	[timem:s3], [sflag:s2] =	dma.local @!p0 [hbm:s0], s1  }
0x1c9: {  	s0 =	simm.s32 @!p0 $0x1  }
0x1ca: {  	_ =	swait.ge @!p0 [sflag:s0], s1  }
0x1cb: {  	s1 =	ssub.s32 @!p0 $0x0, s1;
	[sflag:s0] =	ssyncset.done @!p0 $0x0  }
0x1cc: {  	[sflag:s0] =	ssyncadd.s32 @!p0 s1  }
0x1cd: {  	[bflag:$0x3] =	sbarrier.arrive $0xFFFF  }
0x1ce: {  	_ =	shalt  }

</sc_bundles>
